<compile_context>
chip_gen: v7x
topology: tpu7x:2x2x1
jax: 0.10.2.dev20260603
libtpu: 0.0.44.dev20260713+nightly
codegen_flags: <defaults>
</compile_context>

<pallas_src>
import functools

import jax
import jax.numpy as jnp
from jax import lax
from jax.experimental import pallas as pl
from jax.experimental.pallas import tpu as pltpu
from jax.experimental.pallas import tpu_sc as plsc

_S, _D, _H, _E, _F = 2048, 1024, 16, 8, 4096
_DH = _D // _H
_WIN = 256
_EPS = 1e-5
_QB = 256
_NQB = _S // _QB
_TB = 128
_P = 3072
_NB = _P // _TB
_FBK = 512
_NFB = _F // _FBK


def _qkv_body(x_ref, w_ref, b_ref, o_ref):
    o_ref[...] = (
        jnp.dot(x_ref[...], w_ref[...], preferred_element_type=jnp.float32)
        + b_ref[...]
    )


_qkv_call = pl.pallas_call(
    _qkv_body,
    out_shape=jax.ShapeDtypeStruct((_S, 3 * _D), jnp.float32),
    grid=(_NQB,),
    in_specs=[
        pl.BlockSpec((_QB, _D), lambda i: (i, 0)),
        pl.BlockSpec((_D, 3 * _D), lambda i: (0, 0)),
        pl.BlockSpec((1, 3 * _D), lambda i: (0, 0)),
    ],
    out_specs=pl.BlockSpec((_QB, 3 * _D), lambda i: (i, 0)),
)


def _attn_body(q_ref, kp_ref, kc_ref, vp_ref, vc_ref, o_ref):
    qb = pl.program_id(1)
    q = q_ref[0]
    s1 = jnp.dot(q, kp_ref[0], preferred_element_type=jnp.float32) * 0.125
    s2 = jnp.dot(q, kc_ref[0], preferred_element_type=jnp.float32) * 0.125
    ii = lax.broadcasted_iota(jnp.int32, (_QB, _QB), 0)
    jj = lax.broadcasted_iota(jnp.int32, (_QB, _QB), 1)
    neg = jnp.float32(-1e9)
    s1 = jnp.where(jnp.logical_and(ii < jj, qb > 0), s1, neg)
    s2 = jnp.where(jj <= ii, s2, neg)
    m = jnp.maximum(
        jnp.max(s1, axis=1, keepdims=True), jnp.max(s2, axis=1, keepdims=True)
    )
    p1 = jnp.exp(s1 - m)
    p2 = jnp.exp(s2 - m)
    den = jnp.sum(p1, axis=1, keepdims=True) + jnp.sum(p2, axis=1, keepdims=True)
    p1 = p1 / den
    p2 = p2 / den
    o_ref[0] = jnp.dot(p1, vp_ref[0], preferred_element_type=jnp.float32) + jnp.dot(
        p2, vc_ref[0], preferred_element_type=jnp.float32
    )


_attn_call = pl.pallas_call(
    _attn_body,
    out_shape=jax.ShapeDtypeStruct((_H, _S, _DH), jnp.float32),
    grid=(_H, _NQB),
    in_specs=[
        pl.BlockSpec((1, _QB, _DH), lambda h, qb: (h, qb, 0)),
        pl.BlockSpec((1, _DH, _QB), lambda h, qb: (h, 0, jnp.maximum(qb - 1, 0))),
        pl.BlockSpec((1, _DH, _QB), lambda h, qb: (h, 0, qb)),
        pl.BlockSpec((1, _QB, _DH), lambda h, qb: (h, jnp.maximum(qb - 1, 0), 0)),
        pl.BlockSpec((1, _QB, _DH), lambda h, qb: (h, qb, 0)),
    ],
    out_specs=pl.BlockSpec((1, _QB, _DH), lambda h, qb: (h, qb, 0)),
)


def _post_body(
    a_ref, x_ref, wo_ref, bo_ref, g_ref, b_ref, gw_ref, gb_ref,
    h_ref, idx_ref, mp_ref,
):
    t = (
        jnp.dot(a_ref[...], wo_ref[...], preferred_element_type=jnp.float32)
        + bo_ref[...]
        + x_ref[...]
    )
    mu = jnp.mean(t, axis=1, keepdims=True)
    var = jnp.mean((t - mu) ** 2, axis=1, keepdims=True)
    h = (t - mu) / jnp.sqrt(var + _EPS) * g_ref[...] + b_ref[...]
    h_ref[...] = h
    logits = jnp.dot(h, gw_ref[...], preferred_element_type=jnp.float32) + gb_ref[...]
    lm = jnp.max(logits, axis=1, keepdims=True)
    pe = jnp.exp(logits - lm)
    probs = pe / jnp.sum(pe, axis=1, keepdims=True)
    idx_ref[0, 0, :] = jnp.argmax(probs, axis=1).astype(jnp.int32)
    mp_ref[0, 0, :] = jnp.max(probs, axis=1)


_post_call = pl.pallas_call(
    _post_body,
    out_shape=[
        jax.ShapeDtypeStruct((_S, _D), jnp.float32),
        jax.ShapeDtypeStruct((_NQB, 1, _QB), jnp.int32),
        jax.ShapeDtypeStruct((_NQB, 1, _QB), jnp.float32),
    ],
    grid=(_NQB,),
    in_specs=[
        pl.BlockSpec((_QB, _D), lambda i: (i, 0)),
        pl.BlockSpec((_QB, _D), lambda i: (i, 0)),
        pl.BlockSpec((_D, _D), lambda i: (0, 0)),
        pl.BlockSpec((1, _D), lambda i: (0, 0)),
        pl.BlockSpec((1, _D), lambda i: (0, 0)),
        pl.BlockSpec((1, _D), lambda i: (0, 0)),
        pl.BlockSpec((_D, _E), lambda i: (0, 0)),
        pl.BlockSpec((1, _E), lambda i: (0, 0)),
    ],
    out_specs=[
        pl.BlockSpec((_QB, _D), lambda i: (i, 0)),
        pl.BlockSpec((1, 1, _QB), lambda i: (i, 0, 0)),
        pl.BlockSpec((1, 1, _QB), lambda i: (i, 0, 0)),
    ],
)


def _ffn_body(e_ref, xs_ref, w1_ref, b1_ref, w2_ref, b2_ref, mp_ref, o_ref, acc_ref):
    del e_ref
    fb = pl.program_id(1)
    hh = jnp.maximum(
        jnp.dot(xs_ref[...], w1_ref[0], preferred_element_type=jnp.float32)
        + b1_ref[0],
        0.0,
    )
    part = jnp.dot(hh, w2_ref[0], preferred_element_type=jnp.float32)

    @pl.when(fb == 0)
    def _():
        acc_ref[...] = part

    @pl.when(fb != 0)
    def _():
        acc_ref[...] += part

    @pl.when(fb == _NFB - 1)
    def _():
        o_ref[...] = (acc_ref[...] + b2_ref[0]) * mp_ref[:, 0:1]


_ffn_call = pl.pallas_call(
    _ffn_body,
    out_shape=jax.ShapeDtypeStruct((_P, _D), jnp.float32),
    grid_spec=pltpu.PrefetchScalarGridSpec(
        num_scalar_prefetch=1,
        grid=(_NB, _NFB),
        in_specs=[
            pl.BlockSpec((_TB, _D), lambda tb, fb, e: (tb, 0)),
            pl.BlockSpec((1, _D, _FBK), lambda tb, fb, e: (e[tb], 0, fb)),
            pl.BlockSpec((1, 1, _FBK), lambda tb, fb, e: (e[tb], 0, fb)),
            pl.BlockSpec((1, _FBK, _D), lambda tb, fb, e: (e[tb], fb, 0)),
            pl.BlockSpec((1, 1, _D), lambda tb, fb, e: (e[tb], 0, 0)),
            pl.BlockSpec((_TB, 128), lambda tb, fb, e: (tb, 0)),
        ],
        out_specs=pl.BlockSpec((_TB, _D), lambda tb, fb, e: (tb, 0)),
        scratch_shapes=[pltpu.VMEM((_TB, _D), jnp.float32)],
    ),
)


def _sc_row_gather(table, idxv):
    n = idxv.shape[0]
    d = table.shape[1]
    info = plsc.get_sparse_core_info()
    nw = info.num_cores * info.num_subcores
    bpw = n // nw
    mesh = plsc.VectorSubcoreMesh(core_axis_name="c", subcore_axis_name="s")

    @functools.partial(
        pl.kernel,
        out_type=jax.ShapeDtypeStruct((n, d), jnp.float32),
        mesh=mesh,
        scratch_types=[
            pltpu.VMEM((bpw,), jnp.int32),
            pltpu.VMEM((bpw, d), jnp.float32),
            pltpu.SemaphoreType.DMA,
        ],
    )
    def k(table_hbm, idx_hbm, out_hbm, idx_v, rows_v, sem):
        wid = lax.axis_index("s") * info.num_cores + lax.axis_index("c")
        base = wid * bpw
        pltpu.sync_copy(idx_hbm.at[pl.ds(base, bpw)], idx_v)
        pltpu.async_copy(table_hbm.at[idx_v], rows_v, sem).wait()
        pltpu.sync_copy(rows_v, out_hbm.at[pl.ds(base, bpw)])

    return k(table, idxv)


def kernel(x, ln1_g, ln1_b, Wqkv, bqkv, Wo, bo, gate_W, gate_b, W1, b1, W2, b2):
    xf = x.reshape(_S, _D)
    qkv = _qkv_call(xf, Wqkv, bqkv.reshape(1, -1))
    q = qkv[:, :_D].reshape(_S, _H, _DH).transpose(1, 0, 2)
    kt = qkv[:, _D : 2 * _D].reshape(_S, _H, _DH).transpose(1, 2, 0)
    v = qkv[:, 2 * _D :].reshape(_S, _H, _DH).transpose(1, 0, 2)
    o = _attn_call(q, kt, kt, v, v)
    a = o.transpose(1, 0, 2).reshape(_S, _D)
    h, idx3, mp3 = _post_call(
        a,
        xf,
        Wo,
        bo.reshape(1, -1),
        ln1_g.reshape(1, -1),
        ln1_b.reshape(1, -1),
        gate_W,
        gate_b.reshape(1, -1),
    )
    eid = idx3.reshape(_S)
    maxp = mp3.reshape(_S)

    order = jnp.argsort(eid).astype(jnp.int32)
    sorted_e = eid[order]
    counts = jnp.bincount(eid, length=_E).astype(jnp.int32)
    padded = ((counts + _TB - 1) // _TB) * _TB
    pad_end = jnp.cumsum(padded)
    pad_off = pad_end - padded
    un_off = jnp.cumsum(counts) - counts

    bstart = jnp.arange(_NB, dtype=jnp.int32) * _TB
    e_blk = jnp.minimum(
        jnp.searchsorted(pad_end, bstart, side="right"), _E - 1
    ).astype(jnp.int32)

    pp = jnp.arange(_P, dtype=jnp.int32)
    e_p = jnp.minimum(jnp.searchsorted(pad_end, pp, side="right"), _E - 1)
    r = pp - pad_off[e_p]
    valid = r < counts[e_p]
    src = jnp.clip(un_off[e_p] + r, 0, _S - 1)
    fwd = jnp.where(valid, order[src], 0).astype(jnp.int32)

    i_sorted = jnp.arange(_S, dtype=jnp.int32)
    q_pos = (pad_off[sorted_e] + (i_sorted - un_off[sorted_e])).astype(jnp.int32)
    inv = jnp.zeros((_S,), jnp.int32).at[order].set(q_pos)

    mp2d = jnp.broadcast_to(maxp[fwd][:, None], (_P, 128))

    xs = _sc_row_gather(h, fwd)
    y = _ffn_call(
        e_blk, xs, W1, b1.reshape(_E, 1, _F), W2, b2.reshape(_E, 1, _D), mp2d
    )
    outf = _sc_row_gather(y, inv)
    return outf.reshape(1, _S, _D)

# --- scband reference (transcript-rebuilt; emitter-appended) ---
"""Pipeline reference for scband-vanilla-moedecoder-3453153706570 (READ-ONLY COPY).

The authoritative reference and input builder live on the scoring server;
editing this copy changes nothing except your own understanding.
"""

import jax, jax.numpy as jnp
import numpy as np

B = 1
S = 2048
D = 1024
H = 16
E = 8
F = 4096
WIN = 256
EPS = 1e-5


def setup_inputs(seed: int = 0) -> dict:
    key = jax.random.key(seed)
    ks = jax.random.split(key, 8)
    inp = {}
    inp["x"] = jax.random.normal(ks[0], (B, S, D), dtype=jnp.float32)
    inp["ln1_g"] = jnp.ones((D,), jnp.float32)
    inp["ln1_b"] = jnp.zeros((D,), jnp.float32)
    inp["Wqkv"] = jax.random.normal(ks[1], (D, 3 * D), dtype=jnp.float32) * 0.02
    inp["bqkv"] = jnp.zeros((3 * D,), jnp.float32)
    inp["Wo"] = jax.random.normal(ks[2], (D, D), dtype=jnp.float32) * 0.02
    inp["bo"] = jnp.zeros((D,), jnp.float32)
    inp["gate_W"] = jax.random.normal(ks[3], (D, E), dtype=jnp.float32) * 0.02
    inp["gate_b"] = jnp.zeros((E,), jnp.float32)
    inp["W1"] = jax.random.normal(ks[4], (E, D, F), dtype=jnp.float32) * 0.02
    inp["b1"] = jnp.zeros((E, F), jnp.float32)
    inp["W2"] = jax.random.normal(ks[5], (E, F, D), dtype=jnp.float32) * 0.02
    inp["b2"] = jnp.zeros((E, D), jnp.float32)
    return inp


def _layernorm(x, g, b):
    m = x.mean(axis=-1, keepdims=True)
    v = ((x - m) ** 2).mean(axis=-1, keepdims=True)
    return (x - m) / jnp.sqrt(v + EPS) * g + b


def _attention(x, Wqkv, bqkv, Wo, bo):
    Bs, Sl, _ = x.shape
    dh = D // H
    qkv = x @ Wqkv + bqkv
    q, k, v = jnp.split(qkv, 3, axis=-1)

    def sp(t):
        return t.reshape(Bs, Sl, H, dh).transpose(0, 2, 1, 3)

    q, k, v = sp(q), sp(k), sp(v)
    scores = jnp.einsum('bhqd,bhkd->bhqk', q, k) / np.sqrt(dh).astype(np.float32)
    i = jnp.arange(Sl)[:, None]
    j = jnp.arange(Sl)[None, :]
    mask = (j <= i) & ((i - j) < WIN)
    scores = jnp.where(mask, scores, jnp.float32(-1e9))
    p = jax.nn.softmax(scores, axis=-1)
    o = jnp.einsum('bhqk,bhkd->bhqd', p, v)
    o = o.transpose(0, 2, 1, 3).reshape(Bs, Sl, D)
    return o @ Wo + bo


def reference(x, ln1_g, ln1_b, Wqkv, bqkv, Wo, bo, gate_W, gate_b, W1, b1, W2, b2):
    a = _attention(x, Wqkv, bqkv, Wo, bo)
    h = _layernorm(x + a, ln1_g, ln1_b)
    Bs, Sl, _ = h.shape
    xf = h.reshape(Bs * Sl, D)
    # top-1 router
    logits = xf @ gate_W + gate_b
    probs = jax.nn.softmax(logits, axis=-1)
    idx = jnp.argmax(probs, axis=-1)
    onehot = jax.nn.one_hot(idx, E, dtype=xf.dtype)
    # experts: two-layer FFN with ReLU, hidden = 4*D; dense dispatch then one-hot combine
    hh = jax.nn.relu(jnp.einsum('td,edf->etf', xf, W1) + b1[:, None, :])
    ye = jnp.einsum('etf,efd->etd', hh, W2) + b2[:, None, :]
    y = jnp.einsum('te,etd->td', onehot, ye)
    maxp = jnp.max(probs, axis=-1)
    out = (y * maxp[:, None]).reshape(Bs, Sl, D)
    return out

if __name__ == "__main__":
    import jax
    _d = setup_inputs()
    print(jax.jit(kernel)(*tuple(_d.values())))

</pallas_src>

<mosaic_0001>
#map = affine_map<(d0, d1) -> (0, 0)>
#map1 = affine_map<(d0, d1) -> (0)>
module attributes {stable_mosaic.version = 14 : i64} {
  func.func @k(%arg0: i32, %arg1: i32, %arg2: memref<2048x1024xf32, #tpu.memory_space<hbm>>, %arg3: memref<3072xi32, #tpu.memory_space<hbm>>, %arg4: memref<3072x1024xf32, #tpu.memory_space<hbm>>, %arg5: memref<96xi32, #tpu.memory_space<vmem>>, %arg6: memref<96x1024xf32, #tpu.memory_space<vmem>>, %arg7: memref<!tpu.dma_semaphore, #tpu.memory_space<semaphore_mem>>) attributes {dimension_semantics = [#tpu.dimension_semantics<core_parallel>, #tpu.dimension_semantics<subcore_parallel>], iteration_bounds = array<i64: 2, 16>, scalar_prefetch = 0 : i64, scratch_operands = 3 : i64, tpu.core_type = #tpu.core_type<sc_vector_subcore>, window_params = [{transform_indices = #map}, {transform_indices = #map1}, {transform_indices = #map}]} {
    %mul3A = arith.constant 2 : i32
    %mul3A_0 = arith.muli %arg1, %mul3A : i32
    %add3A = arith.addi %mul3A_0, %arg0 : i32
    %mul3A_1 = arith.constant 96 : i32
    %mul3A_2 = arith.muli %add3A, %mul3A_1 : i32
    "tpu.region"() ({
      %run_scoped3A = tpu.sem_alloc : memref<!tpu.dma_semaphore, #tpu.memory_space<semaphore_mem>>
      %dma_start3A_7 = tpu.memref_slice %arg3[%mul3A_2] : memref<3072xi32, #tpu.memory_space<hbm>> -> memref<96xi32, #tpu.memory_space<hbm>>
      %dma_start3A_8 = tpu.memref_slice %arg3[%mul3A_2] : memref<3072xi32, #tpu.memory_space<hbm>> -> memref<96xi32, #tpu.memory_space<hbm>>
      tpu.enqueue_dma source(%dma_start3A_8 : memref<96xi32, #tpu.memory_space<hbm>>) target(%arg5 : memref<96xi32, #tpu.memory_space<vmem>>) target_semaphore(%run_scoped3A : memref<!tpu.dma_semaphore, #tpu.memory_space<semaphore_mem>>)
      %dma_wait3A_9 = tpu.memref_slice %arg3[%mul3A_2] : memref<3072xi32, #tpu.memory_space<hbm>> -> memref<96xi32, #tpu.memory_space<hbm>>
      %dma_wait3A_10 = tpu.memref_slice %arg3[%mul3A_2] : memref<3072xi32, #tpu.memory_space<hbm>> -> memref<96xi32, #tpu.memory_space<hbm>>
      tpu.wait_dma2 semaphore(%run_scoped3A : memref<!tpu.dma_semaphore, #tpu.memory_space<semaphore_mem>>) src(%dma_wait3A_10 : memref<96xi32, #tpu.memory_space<hbm>>) dst(%arg5 : memref<96xi32, #tpu.memory_space<vmem>>)
      tpu.yield
    }) : () -> ()
    %dma_start3A = arith.constant 0 : i32
    %dma_start3A_3 = arith.constant 0 : i32
    %dma_start3A_4 = tpu.memref_slice %arg2[%dma_start3A, %dma_start3A_3] : memref<2048x1024xf32, #tpu.memory_space<hbm>> -> memref<2048x1024xf32, #tpu.memory_space<hbm>>
    tpu.enqueue_indirect_dma source(%dma_start3A_4 : memref<2048x1024xf32, #tpu.memory_space<hbm>>) target(%arg6 : memref<96x1024xf32, #tpu.memory_space<vmem>>) offsets(%arg5 : memref<96xi32, #tpu.memory_space<vmem>>) semaphore(%arg7 : memref<!tpu.dma_semaphore, #tpu.memory_space<semaphore_mem>>)
    %dma_wait3A = arith.constant 0 : i32
    %dma_wait3A_5 = arith.constant 0 : i32
    %dma_wait3A_6 = tpu.memref_slice %arg2[%dma_wait3A, %dma_wait3A_5] : memref<2048x1024xf32, #tpu.memory_space<hbm>> -> memref<2048x1024xf32, #tpu.memory_space<hbm>>
    tpu.wait_indirect_dma semaphore(%arg7 : memref<!tpu.dma_semaphore, #tpu.memory_space<semaphore_mem>>) src(%dma_wait3A_6 : memref<2048x1024xf32, #tpu.memory_space<hbm>>) dst(%arg6 : memref<96x1024xf32, #tpu.memory_space<vmem>>)
    "tpu.region"() ({
      %run_scoped3A = tpu.sem_alloc : memref<!tpu.dma_semaphore, #tpu.memory_space<semaphore_mem>>
      %dma_start3A_7 = arith.constant 0 : i32
      %dma_start3A_8 = tpu.memref_slice %arg4[%mul3A_2, %dma_start3A_7] : memref<3072x1024xf32, #tpu.memory_space<hbm>> -> memref<96x1024xf32, #tpu.memory_space<hbm>>
      %dma_start3A_9 = arith.constant 0 : i32
      %dma_start3A_10 = tpu.memref_slice %arg4[%mul3A_2, %dma_start3A_9] : memref<3072x1024xf32, #tpu.memory_space<hbm>> -> memref<96x1024xf32, #tpu.memory_space<hbm>>
      tpu.enqueue_dma source(%arg6 : memref<96x1024xf32, #tpu.memory_space<vmem>>) target(%dma_start3A_10 : memref<96x1024xf32, #tpu.memory_space<hbm>>) target_semaphore(%run_scoped3A : memref<!tpu.dma_semaphore, #tpu.memory_space<semaphore_mem>>)
      %dma_wait3A_11 = arith.constant 0 : i32
      %dma_wait3A_12 = tpu.memref_slice %arg4[%mul3A_2, %dma_wait3A_11] : memref<3072x1024xf32, #tpu.memory_space<hbm>> -> memref<96x1024xf32, #tpu.memory_space<hbm>>
      %dma_wait3A_13 = arith.constant 0 : i32
      %dma_wait3A_14 = tpu.memref_slice %arg4[%mul3A_2, %dma_wait3A_13] : memref<3072x1024xf32, #tpu.memory_space<hbm>> -> memref<96x1024xf32, #tpu.memory_space<hbm>>
      tpu.wait_dma2 semaphore(%run_scoped3A : memref<!tpu.dma_semaphore, #tpu.memory_space<semaphore_mem>>) src(%arg6 : memref<96x1024xf32, #tpu.memory_space<vmem>>) dst(%dma_wait3A_14 : memref<96x1024xf32, #tpu.memory_space<hbm>>)
      tpu.yield
    }) : () -> ()
    return
  }
}

#map = affine_map<(d0, d1) -> (0, 0)>
#map1 = affine_map<(d0, d1) -> (0)>
module attributes {stable_mosaic.version = 14 : i64} {
  func.func @k(%arg0: i32, %arg1: i32, %arg2: memref<3072x1024xf32, #tpu.memory_space<hbm>>, %arg3: memref<2048xi32, #tpu.memory_space<hbm>>, %arg4: memref<2048x1024xf32, #tpu.memory_space<hbm>>, %arg5: memref<64xi32, #tpu.memory_space<vmem>>, %arg6: memref<64x1024xf32, #tpu.memory_space<vmem>>, %arg7: memref<!tpu.dma_semaphore, #tpu.memory_space<semaphore_mem>>) attributes {dimension_semantics = [#tpu.dimension_semantics<core_parallel>, #tpu.dimension_semantics<subcore_parallel>], iteration_bounds = array<i64: 2, 16>, scalar_prefetch = 0 : i64, scratch_operands = 3 : i64, tpu.core_type = #tpu.core_type<sc_vector_subcore>, window_params = [{transform_indices = #map}, {transform_indices = #map1}, {transform_indices = #map}]} {
    %mul3A = arith.constant 2 : i32
    %mul3A_0 = arith.muli %arg1, %mul3A : i32
    %add3A = arith.addi %mul3A_0, %arg0 : i32
    %mul3A_1 = arith.constant 64 : i32
    %mul3A_2 = arith.muli %add3A, %mul3A_1 : i32
    "tpu.region"() ({
      %run_scoped3A = tpu.sem_alloc : memref<!tpu.dma_semaphore, #tpu.memory_space<semaphore_mem>>
      %dma_start3A_7 = tpu.memref_slice %arg3[%mul3A_2] : memref<2048xi32, #tpu.memory_space<hbm>> -> memref<64xi32, #tpu.memory_space<hbm>>
      %dma_start3A_8 = tpu.memref_slice %arg3[%mul3A_2] : memref<2048xi32, #tpu.memory_space<hbm>> -> memref<64xi32, #tpu.memory_space<hbm>>
      tpu.enqueue_dma source(%dma_start3A_8 : memref<64xi32, #tpu.memory_space<hbm>>) target(%arg5 : memref<64xi32, #tpu.memory_space<vmem>>) target_semaphore(%run_scoped3A : memref<!tpu.dma_semaphore, #tpu.memory_space<semaphore_mem>>)
      %dma_wait3A_9 = tpu.memref_slice %arg3[%mul3A_2] : memref<2048xi32, #tpu.memory_space<hbm>> -> memref<64xi32, #tpu.memory_space<hbm>>
      %dma_wait3A_10 = tpu.memref_slice %arg3[%mul3A_2] : memref<2048xi32, #tpu.memory_space<hbm>> -> memref<64xi32, #tpu.memory_space<hbm>>
      tpu.wait_dma2 semaphore(%run_scoped3A : memref<!tpu.dma_semaphore, #tpu.memory_space<semaphore_mem>>) src(%dma_wait3A_10 : memref<64xi32, #tpu.memory_space<hbm>>) dst(%arg5 : memref<64xi32, #tpu.memory_space<vmem>>)
      tpu.yield
    }) : () -> ()
    %dma_start3A = arith.constant 0 : i32
    %dma_start3A_3 = arith.constant 0 : i32
    %dma_start3A_4 = tpu.memref_slice %arg2[%dma_start3A, %dma_start3A_3] : memref<3072x1024xf32, #tpu.memory_space<hbm>> -> memref<3072x1024xf32, #tpu.memory_space<hbm>>
    tpu.enqueue_indirect_dma source(%dma_start3A_4 : memref<3072x1024xf32, #tpu.memory_space<hbm>>) target(%arg6 : memref<64x1024xf32, #tpu.memory_space<vmem>>) offsets(%arg5 : memref<64xi32, #tpu.memory_space<vmem>>) semaphore(%arg7 : memref<!tpu.dma_semaphore, #tpu.memory_space<semaphore_mem>>)
    %dma_wait3A = arith.constant 0 : i32
    %dma_wait3A_5 = arith.constant 0 : i32
    %dma_wait3A_6 = tpu.memref_slice %arg2[%dma_wait3A, %dma_wait3A_5] : memref<3072x1024xf32, #tpu.memory_space<hbm>> -> memref<3072x1024xf32, #tpu.memory_space<hbm>>
    tpu.wait_indirect_dma semaphore(%arg7 : memref<!tpu.dma_semaphore, #tpu.memory_space<semaphore_mem>>) src(%dma_wait3A_6 : memref<3072x1024xf32, #tpu.memory_space<hbm>>) dst(%arg6 : memref<64x1024xf32, #tpu.memory_space<vmem>>)
    "tpu.region"() ({
      %run_scoped3A = tpu.sem_alloc : memref<!tpu.dma_semaphore, #tpu.memory_space<semaphore_mem>>
      %dma_start3A_7 = arith.constant 0 : i32
      %dma_start3A_8 = tpu.memref_slice %arg4[%mul3A_2, %dma_start3A_7] : memref<2048x1024xf32, #tpu.memory_space<hbm>> -> memref<64x1024xf32, #tpu.memory_space<hbm>>
      %dma_start3A_9 = arith.constant 0 : i32
      %dma_start3A_10 = tpu.memref_slice %arg4[%mul3A_2, %dma_start3A_9] : memref<2048x1024xf32, #tpu.memory_space<hbm>> -> memref<64x1024xf32, #tpu.memory_space<hbm>>
      tpu.enqueue_dma source(%arg6 : memref<64x1024xf32, #tpu.memory_space<vmem>>) target(%dma_start3A_10 : memref<64x1024xf32, #tpu.memory_space<hbm>>) target_semaphore(%run_scoped3A : memref<!tpu.dma_semaphore, #tpu.memory_space<semaphore_mem>>)
      %dma_wait3A_11 = arith.constant 0 : i32
      %dma_wait3A_12 = tpu.memref_slice %arg4[%mul3A_2, %dma_wait3A_11] : memref<2048x1024xf32, #tpu.memory_space<hbm>> -> memref<64x1024xf32, #tpu.memory_space<hbm>>
      %dma_wait3A_13 = arith.constant 0 : i32
      %dma_wait3A_14 = tpu.memref_slice %arg4[%mul3A_2, %dma_wait3A_13] : memref<2048x1024xf32, #tpu.memory_space<hbm>> -> memref<64x1024xf32, #tpu.memory_space<hbm>>
      tpu.wait_dma2 semaphore(%run_scoped3A : memref<!tpu.dma_semaphore, #tpu.memory_space<semaphore_mem>>) src(%arg6 : memref<64x1024xf32, #tpu.memory_space<vmem>>) dst(%dma_wait3A_14 : memref<64x1024xf32, #tpu.memory_space<hbm>>)
      tpu.yield
    }) : () -> ()
    return
  }
}

module attributes {stable_mosaic.version = 14 : i64} {
  func.func @_qkv_body(%arg0: i32, %arg1: memref<256x1024xf32, #tpu.memory_space<vmem>>, %arg2: memref<1024x3072xf32, #tpu.memory_space<vmem>>, %arg3: memref<1x3072xf32, #tpu.memory_space<vmem>>, %arg4: memref<256x3072xf32, #tpu.memory_space<vmem>>) attributes {dimension_semantics = [#tpu.dimension_semantics<arbitrary>], iteration_bounds = array<i64: 8>, scalar_prefetch = 0 : i64, scratch_operands = 0 : i64, tpu.core_type = #tpu.core_type<tc>, window_params = [{transform_indices = @transform_0, window_bounds = array<i64: 256, 1024>}, {pipeline_mode = #tpu.pipeline_mode<synchronous>, transform_indices = @transform_1, window_bounds = array<i64: 1024, 3072>}, {pipeline_mode = #tpu.pipeline_mode<synchronous>, transform_indices = @transform_2, window_bounds = array<i64: 1, 3072>}, {transform_indices = @transform_3, window_bounds = array<i64: 256, 3072>}]} {
    %get3A = arith.constant 0 : index
    %get3A_0 = arith.constant 0 : index
    %get3A_1 = vector.load %arg1[%get3A, %get3A_0] : memref<256x1024xf32, #tpu.memory_space<vmem>>, vector<256x1024xf32>
    %get3A_2 = arith.constant 0 : index
    %get3A_3 = arith.constant 0 : index
    %get3A_4 = vector.load %arg2[%get3A_2, %get3A_3] : memref<1024x3072xf32, #tpu.memory_space<vmem>>, vector<1024x3072xf32>
    %dot_general3A = arith.constant dense<0.000000e+00> : vector<256x3072xf32>
    %dot_general3A_5 = tpu.matmul %get3A_1, %get3A_4, %dot_general3A {dimension_numbers = #tpu.dot_dimension_numbers<[1], [0], [0], [1], [0, 0, 1, 1], [], []>, transpose_lhs_hint = false} : vector<256x1024xf32>, vector<1024x3072xf32>, vector<256x3072xf32> -> vector<256x3072xf32>
    %get3A_6 = arith.constant 0 : index
    %get3A_7 = arith.constant 0 : index
    %get3A_8 = vector.load %arg3[%get3A_6, %get3A_7] : memref<1x3072xf32, #tpu.memory_space<vmem>>, vector<1x3072xf32>
    %add3A = vector.broadcast %get3A_8 : vector<1x3072xf32> to vector<256x3072xf32>
    %add3A_9 = arith.addf %dot_general3A_5, %add3A : vector<256x3072xf32>
    %swap3A = arith.constant 0 : index
    %swap3A_10 = arith.constant 0 : index
    %swap3A_11 = vector.load %arg4[%swap3A, %swap3A_10] : memref<256x3072xf32, #tpu.memory_space<vmem>>, vector<256x3072xf32>
    tpu.vector_store %arg4[%swap3A, %swap3A_10], %add3A_9 {strides = array<i32>} : memref<256x3072xf32, #tpu.memory_space<vmem>>, vector<256x3072xf32>,
    return
  }
  func.func @transform_0(%arg0: i32) -> (i32, i32) {
    %c0_i32 = arith.constant 0 : i32
    %c0_i32_0 = arith.constant 0 : i32
    return %arg0, %c0_i32 : i32, i32
  }
  func.func @transform_1(%arg0: i32) -> (i32, i32) {
    %c0_i32 = arith.constant 0 : i32
    %c0_i32_0 = arith.constant 0 : i32
    %c0_i32_1 = arith.constant 0 : i32
    return %c0_i32, %c0_i32_0 : i32, i32
  }
  func.func @transform_2(%arg0: i32) -> (i32, i32) {
    %c0_i32 = arith.constant 0 : i32
    %c0_i32_0 = arith.constant 0 : i32
    %c0_i32_1 = arith.constant 0 : i32
    return %c0_i32, %c0_i32_0 : i32, i32
  }
  func.func @transform_3(%arg0: i32) -> (i32, i32) {
    %c0_i32 = arith.constant 0 : i32
    %c0_i32_0 = arith.constant 0 : i32
    return %arg0, %c0_i32 : i32, i32
  }
}

module attributes {stable_mosaic.version = 14 : i64} {
  func.func @_attn_body(%arg0: i32, %arg1: i32, %arg2: memref<1x256x64xf32, #tpu.memory_space<vmem>>, %arg3: memref<1x64x256xf32, #tpu.memory_space<vmem>>, %arg4: memref<1x64x256xf32, #tpu.memory_space<vmem>>, %arg5: memref<1x256x64xf32, #tpu.memory_space<vmem>>, %arg6: memref<1x256x64xf32, #tpu.memory_space<vmem>>, %arg7: memref<1x256x64xf32, #tpu.memory_space<vmem>>) attributes {dimension_semantics = [#tpu.dimension_semantics<arbitrary>, #tpu.dimension_semantics<arbitrary>], iteration_bounds = array<i64: 16, 8>, scalar_prefetch = 0 : i64, scratch_operands = 0 : i64, tpu.core_type = #tpu.core_type<tc>, window_params = [{transform_indices = @transform_0, window_bounds = array<i64: 1, 256, 64>}, {transform_indices = @transform_1, window_bounds = array<i64: 1, 64, 256>}, {transform_indices = @transform_2, window_bounds = array<i64: 1, 64, 256>}, {transform_indices = @transform_3, window_bounds = array<i64: 1, 256, 64>}, {transform_indices = @transform_4, window_bounds = array<i64: 1, 256, 64>}, {transform_indices = @transform_5, window_bounds = array<i64: 1, 256, 64>}]} {
    %get3A = arith.constant 0 : index
    %get3A_0 = arith.constant 0 : index
    %get3A_1 = arith.constant 0 : index
    %get3A_2 = vector.load %arg2[%get3A, %get3A_0, %get3A_1] : memref<1x256x64xf32, #tpu.memory_space<vmem>>, vector<1x256x64xf32>
    %get3A_3 = vector.shape_cast %get3A_2 : vector<1x256x64xf32> to vector<256x64xf32>
    %get3A_4 = arith.constant 0 : index
    %get3A_5 = arith.constant 0 : index
    %get3A_6 = arith.constant 0 : index
    %get3A_7 = vector.load %arg3[%get3A_4, %get3A_5, %get3A_6] : memref<1x64x256xf32, #tpu.memory_space<vmem>>, vector<1x64x256xf32>
    %get3A_8 = vector.shape_cast %get3A_7 : vector<1x64x256xf32> to vector<64x256xf32>
    %dot_general3A = arith.constant dense<0.000000e+00> : vector<256x256xf32>
    %dot_general3A_9 = tpu.matmul %get3A_3, %get3A_8, %dot_general3A {dimension_numbers = #tpu.dot_dimension_numbers<[1], [0], [0], [1], [0, 0, 1, 1], [], []>, transpose_lhs_hint = false} : vector<256x64xf32>, vector<64x256xf32>, vector<256x256xf32> -> vector<256x256xf32>
    %mul3A = arith.constant 1.250000e-01 : f32
    %mul3A_10 = vector.broadcast %mul3A : f32 to vector<256x256xf32>
    %mul3A_11 = arith.mulf %dot_general3A_9, %mul3A_10 : vector<256x256xf32>
    %get3A_12 = arith.constant 0 : index
    %get3A_13 = arith.constant 0 : index
    %get3A_14 = arith.constant 0 : index
    %get3A_15 = vector.load %arg4[%get3A_12, %get3A_13, %get3A_14] : memref<1x64x256xf32, #tpu.memory_space<vmem>>, vector<1x64x256xf32>
    %get3A_16 = vector.shape_cast %get3A_15 : vector<1x64x256xf32> to vector<64x256xf32>
    %dot_general3A_17 = arith.constant dense<0.000000e+00> : vector<256x256xf32>
    %dot_general3A_18 = tpu.matmul %get3A_3, %get3A_16, %dot_general3A_17 {dimension_numbers = #tpu.dot_dimension_numbers<[1], [0], [0], [1], [0, 0, 1, 1], [], []>, transpose_lhs_hint = false} : vector<256x64xf32>, vector<64x256xf32>, vector<256x256xf32> -> vector<256x256xf32>
    %mul3A_19 = arith.constant 1.250000e-01 : f32
    %mul3A_20 = vector.broadcast %mul3A_19 : f32 to vector<256x256xf32>
    %mul3A_21 = arith.mulf %dot_general3A_18, %mul3A_20 : vector<256x256xf32>
    %iota3A = tpu.iota {dimensions = array<i32: 0>} : vector<256x256xi32>
    %iota3A_22 = tpu.iota {dimensions = array<i32: 1>} : vector<256x256xi32>
    %lt3A = arith.cmpi slt, %iota3A, %iota3A_22 : vector<256x256xi32>
    %gt3A = arith.constant 0 : i32
    %gt3A_23 = arith.cmpi sgt, %arg1, %gt3A : i32
    %and3A = vector.broadcast %gt3A_23 : i1 to vector<256x256xi1>
    %and3A_24 = arith.andi %lt3A, %and3A : vector<256x256xi1>
    %jit3A = arith.constant -1.000000e+09 : f32
    %broadcast_in_dim3A = vector.broadcast %jit3A : f32 to vector<256x256xf32>
    %select_n3A = arith.select %and3A_24, %mul3A_11, %broadcast_in_dim3A : vector<256x256xi1>, vector<256x256xf32>
    %le3A = arith.cmpi sle, %iota3A_22, %iota3A : vector<256x256xi32>
    %jit3A_25 = arith.constant -1.000000e+09 : f32
    %broadcast_in_dim3A_26 = vector.broadcast %jit3A_25 : f32 to vector<256x256xf32>
    %select_n3A_27 = arith.select %le3A, %mul3A_21, %broadcast_in_dim3A_26 : vector<256x256xi1>, vector<256x256xf32>
    %reduce_max3A = arith.constant dense<0xFF800000> : vector<256xf32>
    %reduce_max3A_28 = vector.multi_reduction <maximumf>, %select_n3A, %reduce_max3A [1] : vector<256x256xf32> to vector<256xf32>
    %broadcast_in_dim3A_29 = vector.shape_cast %reduce_max3A_28 : vector<256xf32> to vector<256x1xf32>
    %reduce_max3A_30 = arith.constant dense<0xFF800000> : vector<256xf32>
    %reduce_max3A_31 = vector.multi_reduction <maximumf>, %select_n3A_27, %reduce_max3A_30 [1] : vector<256x256xf32> to vector<256xf32>
    %broadcast_in_dim3A_32 = vector.shape_cast %reduce_max3A_31 : vector<256xf32> to vector<256x1xf32>
    %max3A = arith.maximumf %broadcast_in_dim3A_29, %broadcast_in_dim3A_32 : vector<256x1xf32>
    %sub3A = vector.broadcast %max3A : vector<256x1xf32> to vector<256x256xf32>
    %sub3A_33 = arith.subf %select_n3A, %sub3A : vector<256x256xf32>
    %exp3A = math.exp %sub3A_33 : vector<256x256xf32>
    %sub3A_34 = vector.broadcast %max3A : vector<256x1xf32> to vector<256x256xf32>
    %sub3A_35 = arith.subf %select_n3A_27, %sub3A_34 : vector<256x256xf32>
    %exp3A_36 = math.exp %sub3A_35 : vector<256x256xf32>
    %reduce_sum3A = arith.constant dense<0.000000e+00> : vector<256xf32>
    %reduce_sum3A_37 = vector.multi_reduction <add>, %exp3A, %reduce_sum3A [1] : vector<256x256xf32> to vector<256xf32>
    %broadcast_in_dim3A_38 = vector.shape_cast %reduce_sum3A_37 : vector<256xf32> to vector<256x1xf32>
    %reduce_sum3A_39 = arith.constant dense<0.000000e+00> : vector<256xf32>
    %reduce_sum3A_40 = vector.multi_reduction <add>, %exp3A_36, %reduce_sum3A_39 [1] : vector<256x256xf32> to vector<256xf32>
    %broadcast_in_dim3A_41 = vector.shape_cast %reduce_sum3A_40 : vector<256xf32> to vector<256x1xf32>
    %add3A = arith.addf %broadcast_in_dim3A_38, %broadcast_in_dim3A_41 : vector<256x1xf32>
    %div3A = vector.broadcast %add3A : vector<256x1xf32> to vector<256x256xf32>
    %div3A_42 = arith.divf %exp3A, %div3A : vector<256x256xf32>
    %div3A_43 = vector.broadcast %add3A : vector<256x1xf32> to vector<256x256xf32>
    %div3A_44 = arith.divf %exp3A_36, %div3A_43 : vector<256x256xf32>
    %get3A_45 = arith.constant 0 : index
    %get3A_46 = arith.constant 0 : index
    %get3A_47 = arith.constant 0 : index
    %get3A_48 = vector.load %arg5[%get3A_45, %get3A_46, %get3A_47] : memref<1x256x64xf32, #tpu.memory_space<vmem>>, vector<1x256x64xf32>
    %get3A_49 = vector.shape_cast %get3A_48 : vector<1x256x64xf32> to vector<256x64xf32>
    %dot_general3A_50 = arith.constant dense<0.000000e+00> : vector<256x64xf32>
    %dot_general3A_51 = tpu.matmul %div3A_42, %get3A_49, %dot_general3A_50 {dimension_numbers = #tpu.dot_dimension_numbers<[1], [0], [0], [1], [0, 0, 1, 1], [], []>, transpose_lhs_hint = false} : vector<256x256xf32>, vector<256x64xf32>, vector<256x64xf32> -> vector<256x64xf32>
    %get3A_52 = arith.constant 0 : index
    %get3A_53 = arith.constant 0 : index
    %get3A_54 = arith.constant 0 : index
    %get3A_55 = vector.load %arg6[%get3A_52, %get3A_53, %get3A_54] : memref<1x256x64xf32, #tpu.memory_space<vmem>>, vector<1x256x64xf32>
    %get3A_56 = vector.shape_cast %get3A_55 : vector<1x256x64xf32> to vector<256x64xf32>
    %dot_general3A_57 = arith.constant dense<0.000000e+00> : vector<256x64xf32>
    %dot_general3A_58 = tpu.matmul %div3A_44, %get3A_56, %dot_general3A_57 {dimension_numbers = #tpu.dot_dimension_numbers<[1], [0], [0], [1], [0, 0, 1, 1], [], []>, transpose_lhs_hint = false} : vector<256x256xf32>, vector<256x64xf32>, vector<256x64xf32> -> vector<256x64xf32>
    %add3A_59 = arith.addf %dot_general3A_51, %dot_general3A_58 : vector<256x64xf32>
    %swap3A = arith.constant 0 : index
    %swap3A_60 = arith.constant 0 : index
    %swap3A_61 = arith.constant 0 : index
    %swap3A_62 = vector.load %arg7[%swap3A, %swap3A_60, %swap3A_61] : memref<1x256x64xf32, #tpu.memory_space<vmem>>, vector<1x256x64xf32>
    %swap3A_63 = vector.shape_cast %swap3A_62 : vector<1x256x64xf32> to vector<256x64xf32>
    %swap3A_64 = vector.shape_cast %add3A_59 : vector<256x64xf32> to vector<1x256x64xf32>
    tpu.vector_store %arg7[%swap3A, %swap3A_60, %swap3A_61], %swap3A_64 {strides = array<i32>} : memref<1x256x64xf32, #tpu.memory_space<vmem>>, vector<1x256x64xf32>,
    return
  }
  func.func @transform_0(%arg0: i32, %arg1: i32) -> (i32, i32, i32) {
    %c0_i32 = arith.constant 0 : i32
    %c0_i32_0 = arith.constant 0 : i32
    return %arg0, %arg1, %c0_i32 : i32, i32, i32
  }
  func.func @transform_1(%arg0: i32, %arg1: i32) -> (i32, i32, i32) {
    %sub3A = arith.constant 1 : i32
    %sub3A_0 = arith.subi %arg1, %sub3A : i32
    %max3A = arith.constant 0 : i32
    %max3A_1 = arith.maxsi %sub3A_0, %max3A : i32
    %c0_i32 = arith.constant 0 : i32
    %c0_i32_2 = arith.constant 0 : i32
    return %arg0, %c0_i32, %max3A_1 : i32, i32, i32
  }
  func.func @transform_2(%arg0: i32, %arg1: i32) -> (i32, i32, i32) {
    %c0_i32 = arith.constant 0 : i32
    %c0_i32_0 = arith.constant 0 : i32
    return %arg0, %c0_i32, %arg1 : i32, i32, i32
  }
  func.func @transform_3(%arg0: i32, %arg1: i32) -> (i32, i32, i32) {
    %sub3A = arith.constant 1 : i32
    %sub3A_0 = arith.subi %arg1, %sub3A : i32
    %max3A = arith.constant 0 : i32
    %max3A_1 = arith.maxsi %sub3A_0, %max3A : i32
    %c0_i32 = arith.constant 0 : i32
    %c0_i32_2 = arith.constant 0 : i32
    return %arg0, %max3A_1, %c0_i32 : i32, i32, i32
  }
  func.func @transform_4(%arg0: i32, %arg1: i32) -> (i32, i32, i32) {
    %c0_i32 = arith.constant 0 : i32
    %c0_i32_0 = arith.constant 0 : i32
    return %arg0, %arg1, %c0_i32 : i32, i32, i32
  }
  func.func @transform_5(%arg0: i32, %arg1: i32) -> (i32, i32, i32) {
    %c0_i32 = arith.constant 0 : i32
    %c0_i32_0 = arith.constant 0 : i32
    return %arg0, %arg1, %c0_i32 : i32, i32, i32
  }
}

module attributes {stable_mosaic.version = 14 : i64} {
  func.func @_post_body(%arg0: i32, %arg1: memref<256x1024xf32, #tpu.memory_space<vmem>>, %arg2: memref<256x1024xf32, #tpu.memory_space<vmem>>, %arg3: memref<1024x1024xf32, #tpu.memory_space<vmem>>, %arg4: memref<1x1024xf32, #tpu.memory_space<vmem>>, %arg5: memref<1x1024xf32, #tpu.memory_space<vmem>>, %arg6: memref<1x1024xf32, #tpu.memory_space<vmem>>, %arg7: memref<1024x8xf32, #tpu.memory_space<vmem>>, %arg8: memref<1x8xf32, #tpu.memory_space<vmem>>, %arg9: memref<256x1024xf32, #tpu.memory_space<vmem>>, %arg10: memref<1x1x256xi32, #tpu.memory_space<vmem>>, %arg11: memref<1x1x256xf32, #tpu.memory_space<vmem>>) attributes {dimension_semantics = [#tpu.dimension_semantics<arbitrary>], iteration_bounds = array<i64: 8>, scalar_prefetch = 0 : i64, scratch_operands = 0 : i64, tpu.core_type = #tpu.core_type<tc>, window_params = [{transform_indices = @transform_0, window_bounds = array<i64: 256, 1024>}, {transform_indices = @transform_1, window_bounds = array<i64: 256, 1024>}, {pipeline_mode = #tpu.pipeline_mode<synchronous>, transform_indices = @transform_2, window_bounds = array<i64: 1024, 1024>}, {pipeline_mode = #tpu.pipeline_mode<synchronous>, transform_indices = @transform_3, window_bounds = array<i64: 1, 1024>}, {pipeline_mode = #tpu.pipeline_mode<synchronous>, transform_indices = @transform_4, window_bounds = array<i64: 1, 1024>}, {pipeline_mode = #tpu.pipeline_mode<synchronous>, transform_indices = @transform_5, window_bounds = array<i64: 1, 1024>}, {pipeline_mode = #tpu.pipeline_mode<synchronous>, transform_indices = @transform_6, window_bounds = array<i64: 1024, 8>}, {pipeline_mode = #tpu.pipeline_mode<synchronous>, transform_indices = @transform_7, window_bounds = array<i64: 1, 8>}, {transform_indices = @transform_8, window_bounds = array<i64: 256, 1024>}, {transform_indices = @transform_9, window_bounds = array<i64: 1, 1, 256>}, {transform_indices = @transform_10, window_bounds = array<i64: 1, 1, 256>}]} {
    %get3A = arith.constant 0 : index
    %get3A_0 = arith.constant 0 : index
    %get3A_1 = vector.load %arg1[%get3A, %get3A_0] : memref<256x1024xf32, #tpu.memory_space<vmem>>, vector<256x1024xf32>
    %get3A_2 = arith.constant 0 : index
    %get3A_3 = arith.constant 0 : index
    %get3A_4 = vector.load %arg3[%get3A_2, %get3A_3] : memref<1024x1024xf32, #tpu.memory_space<vmem>>, vector<1024x1024xf32>
    %dot_general3A = arith.constant dense<0.000000e+00> : vector<256x1024xf32>
    %dot_general3A_5 = tpu.matmul %get3A_1, %get3A_4, %dot_general3A {dimension_numbers = #tpu.dot_dimension_numbers<[1], [0], [0], [1], [0, 0, 1, 1], [], []>, transpose_lhs_hint = false} : vector<256x1024xf32>, vector<1024x1024xf32>, vector<256x1024xf32> -> vector<256x1024xf32>
    %get3A_6 = arith.constant 0 : index
    %get3A_7 = arith.constant 0 : index
    %get3A_8 = vector.load %arg4[%get3A_6, %get3A_7] : memref<1x1024xf32, #tpu.memory_space<vmem>>, vector<1x1024xf32>
    %add3A = vector.broadcast %get3A_8 : vector<1x1024xf32> to vector<256x1024xf32>
    %add3A_9 = arith.addf %dot_general3A_5, %add3A : vector<256x1024xf32>
    %get3A_10 = arith.constant 0 : index
    %get3A_11 = arith.constant 0 : index
    %get3A_12 = vector.load %arg2[%get3A_10, %get3A_11] : memref<256x1024xf32, #tpu.memory_space<vmem>>, vector<256x1024xf32>
    %add3A_13 = arith.addf %add3A_9, %get3A_12 : vector<256x1024xf32>
    %reduce_sum3A = arith.constant dense<0.000000e+00> : vector<256xf32>
    %reduce_sum3A_14 = vector.multi_reduction <add>, %add3A_13, %reduce_sum3A [1] : vector<256x1024xf32> to vector<256xf32>
    %broadcast_in_dim3A = vector.shape_cast %reduce_sum3A_14 : vector<256xf32> to vector<256x1xf32>
    %div3A = arith.constant 1.024000e+03 : f32
    %div3A_15 = vector.broadcast %div3A : f32 to vector<256x1xf32>
    %div3A_16 = arith.divf %broadcast_in_dim3A, %div3A_15 : vector<256x1xf32>
    %sub3A = vector.broadcast %div3A_16 : vector<256x1xf32> to vector<256x1024xf32>
    %sub3A_17 = arith.subf %add3A_13, %sub3A : vector<256x1024xf32>
    %integer_pow3A = arith.mulf %sub3A_17, %sub3A_17 : vector<256x1024xf32>
    %reduce_sum3A_18 = arith.constant dense<0.000000e+00> : vector<256xf32>
    %reduce_sum3A_19 = vector.multi_reduction <add>, %integer_pow3A, %reduce_sum3A_18 [1] : vector<256x1024xf32> to vector<256xf32>
    %broadcast_in_dim3A_20 = vector.shape_cast %reduce_sum3A_19 : vector<256xf32> to vector<256x1xf32>
    %div3A_21 = arith.constant 1.024000e+03 : f32
    %div3A_22 = vector.broadcast %div3A_21 : f32 to vector<256x1xf32>
    %div3A_23 = arith.divf %broadcast_in_dim3A_20, %div3A_22 : vector<256x1xf32>
    %sub3A_24 = vector.broadcast %div3A_16 : vector<256x1xf32> to vector<256x1024xf32>
    %sub3A_25 = arith.subf %add3A_13, %sub3A_24 : vector<256x1024xf32>
    %add3A_26 = arith.constant 9.99999974E-6 : f32
    %add3A_27 = vector.broadcast %add3A_26 : f32 to vector<256x1xf32>
    %add3A_28 = arith.addf %div3A_23, %add3A_27 : vector<256x1xf32>
    %sqrt3A = math.sqrt %add3A_28 : vector<256x1xf32>
    %div3A_29 = vector.broadcast %sqrt3A : vector<256x1xf32> to vector<256x1024xf32>
    %div3A_30 = arith.divf %sub3A_25, %div3A_29 : vector<256x1024xf32>
    %get3A_31 = arith.constant 0 : index
    %get3A_32 = arith.constant 0 : index
    %get3A_33 = vector.load %arg5[%get3A_31, %get3A_32] : memref<1x1024xf32, #tpu.memory_space<vmem>>, vector<1x1024xf32>
    %mul3A = vector.broadcast %get3A_33 : vector<1x1024xf32> to vector<256x1024xf32>
    %mul3A_34 = arith.mulf %div3A_30, %mul3A : vector<256x1024xf32>
    %get3A_35 = arith.constant 0 : index
    %get3A_36 = arith.constant 0 : index
    %get3A_37 = vector.load %arg6[%get3A_35, %get3A_36] : memref<1x1024xf32, #tpu.memory_space<vmem>>, vector<1x1024xf32>
    %add3A_38 = vector.broadcast %get3A_37 : vector<1x1024xf32> to vector<256x1024xf32>
    %add3A_39 = arith.addf %mul3A_34, %add3A_38 : vector<256x1024xf32>
    %swap3A = arith.constant 0 : index
    %swap3A_40 = arith.constant 0 : index
    %swap3A_41 = vector.load %arg9[%swap3A, %swap3A_40] : memref<256x1024xf32, #tpu.memory_space<vmem>>, vector<256x1024xf32>
    tpu.vector_store %arg9[%swap3A, %swap3A_40], %add3A_39 {strides = array<i32>} : memref<256x1024xf32, #tpu.memory_space<vmem>>, vector<256x1024xf32>,
    %get3A_42 = arith.constant 0 : index
    %get3A_43 = arith.constant 0 : index
    %get3A_44 = vector.load %arg7[%get3A_42, %get3A_43] : memref<1024x8xf32, #tpu.memory_space<vmem>>, vector<1024x8xf32>
    %dot_general3A_45 = arith.constant dense<0.000000e+00> : vector<256x8xf32>
    %dot_general3A_46 = tpu.matmul %add3A_39, %get3A_44, %dot_general3A_45 {dimension_numbers = #tpu.dot_dimension_numbers<[1], [0], [0], [1], [0, 0, 1, 1], [], []>, transpose_lhs_hint = false} : vector<256x1024xf32>, vector<1024x8xf32>, vector<256x8xf32> -> vector<256x8xf32>
    %get3A_47 = arith.constant 0 : index
    %get3A_48 = arith.constant 0 : index
    %get3A_49 = vector.load %arg8[%get3A_47, %get3A_48] : memref<1x8xf32, #tpu.memory_space<vmem>>, vector<1x8xf32>
    %add3A_50 = vector.broadcast %get3A_49 : vector<1x8xf32> to vector<256x8xf32>
    %add3A_51 = arith.addf %dot_general3A_46, %add3A_50 : vector<256x8xf32>
    %reduce_max3A = arith.constant dense<0xFF800000> : vector<256xf32>
    %reduce_max3A_52 = vector.multi_reduction <maximumf>, %add3A_51, %reduce_max3A [1] : vector<256x8xf32> to vector<256xf32>
    %broadcast_in_dim3A_53 = vector.shape_cast %reduce_max3A_52 : vector<256xf32> to vector<256x1xf32>
    %sub3A_54 = vector.broadcast %broadcast_in_dim3A_53 : vector<256x1xf32> to vector<256x8xf32>
    %sub3A_55 = arith.subf %add3A_51, %sub3A_54 : vector<256x8xf32>
    %exp3A = math.exp %sub3A_55 : vector<256x8xf32>
    %reduce_sum3A_56 = arith.constant dense<0.000000e+00> : vector<256xf32>
    %reduce_sum3A_57 = vector.multi_reduction <add>, %exp3A, %reduce_sum3A_56 [1] : vector<256x8xf32> to vector<256xf32>
    %broadcast_in_dim3A_58 = vector.shape_cast %reduce_sum3A_57 : vector<256xf32> to vector<256x1xf32>
    %div3A_59 = vector.broadcast %broadcast_in_dim3A_58 : vector<256x1xf32> to vector<256x8xf32>
    %div3A_60 = arith.divf %exp3A, %div3A_59 : vector<256x8xf32>
    %argmax3A = tpu.reduce_index %div3A_60 {axis = 1 : i32, kind = #tpu.reduction_kind<arg_max>} : vector<256x8xf32> -> vector<256xi32>
    %swap3A_61 = arith.constant 0 : index
    %swap3A_62 = arith.constant 0 : index
    %swap3A_63 = arith.constant 0 : index
    %swap3A_64 = vector.load %arg10[%swap3A_61, %swap3A_62, %swap3A_63] : memref<1x1x256xi32, #tpu.memory_space<vmem>>, vector<1x1x256xi32>
    %swap3A_65 = vector.shape_cast %swap3A_64 : vector<1x1x256xi32> to vector<256xi32>
    %swap3A_66 = vector.shape_cast %argmax3A : vector<256xi32> to vector<1x1x256xi32>
    tpu.vector_store %arg10[%swap3A_61, %swap3A_62, %swap3A_63], %swap3A_66 {strides = array<i32>} : memref<1x1x256xi32, #tpu.memory_space<vmem>>, vector<1x1x256xi32>,
    %reduce_max3A_67 = arith.constant dense<0xFF800000> : vector<256xf32>
    %reduce_max3A_68 = vector.multi_reduction <maximumf>, %div3A_60, %reduce_max3A_67 [1] : vector<256x8xf32> to vector<256xf32>
    %swap3A_69 = arith.constant 0 : index
    %swap3A_70 = arith.constant 0 : index
    %swap3A_71 = arith.constant 0 : index
    %swap3A_72 = vector.load %arg11[%swap3A_69, %swap3A_70, %swap3A_71] : memref<1x1x256xf32, #tpu.memory_space<vmem>>, vector<1x1x256xf32>
    %swap3A_73 = vector.shape_cast %swap3A_72 : vector<1x1x256xf32> to vector<256xf32>
    %swap3A_74 = vector.shape_cast %reduce_max3A_68 : vector<256xf32> to vector<1x1x256xf32>
    tpu.vector_store %arg11[%swap3A_69, %swap3A_70, %swap3A_71], %swap3A_74 {strides = array<i32>} : memref<1x1x256xf32, #tpu.memory_space<vmem>>, vector<1x1x256xf32>,
    return
  }
  func.func @transform_0(%arg0: i32) -> (i32, i32) {
    %c0_i32 = arith.constant 0 : i32
    %c0_i32_0 = arith.constant 0 : i32
    return %arg0, %c0_i32 : i32, i32
  }
  func.func @transform_1(%arg0: i32) -> (i32, i32) {
    %c0_i32 = arith.constant 0 : i32
    %c0_i32_0 = arith.constant 0 : i32
    return %arg0, %c0_i32 : i32, i32
  }
  func.func @transform_2(%arg0: i32) -> (i32, i32) {
    %c0_i32 = arith.constant 0 : i32
    %c0_i32_0 = arith.constant 0 : i32
    %c0_i32_1 = arith.constant 0 : i32
    return %c0_i32, %c0_i32_0 : i32, i32
  }
  func.func @transform_3(%arg0: i32) -> (i32, i32) {
    %c0_i32 = arith.constant 0 : i32
    %c0_i32_0 = arith.constant 0 : i32
    %c0_i32_1 = arith.constant 0 : i32
    return %c0_i32, %c0_i32_0 : i32, i32
  }
  func.func @transform_4(%arg0: i32) -> (i32, i32) {
    %c0_i32 = arith.constant 0 : i32
    %c0_i32_0 = arith.constant 0 : i32
    %c0_i32_1 = arith.constant 0 : i32
    return %c0_i32, %c0_i32_0 : i32, i32
  }
  func.func @transform_5(%arg0: i32) -> (i32, i32) {
    %c0_i32 = arith.constant 0 : i32
    %c0_i32_0 = arith.constant 0 : i32
    %c0_i32_1 = arith.constant 0 : i32
    return %c0_i32, %c0_i32_0 : i32, i32
  }
  func.func @transform_6(%arg0: i32) -> (i32, i32) {
    %c0_i32 = arith.constant 0 : i32
    %c0_i32_0 = arith.constant 0 : i32
    %c0_i32_1 = arith.constant 0 : i32
    return %c0_i32, %c0_i32_0 : i32, i32
  }
  func.func @transform_7(%arg0: i32) -> (i32, i32) {
    %c0_i32 = arith.constant 0 : i32
    %c0_i32_0 = arith.constant 0 : i32
    %c0_i32_1 = arith.constant 0 : i32
    return %c0_i32, %c0_i32_0 : i32, i32
  }
  func.func @transform_8(%arg0: i32) -> (i32, i32) {
    %c0_i32 = arith.constant 0 : i32
    %c0_i32_0 = arith.constant 0 : i32
    return %arg0, %c0_i32 : i32, i32
  }
  func.func @transform_9(%arg0: i32) -> (i32, i32, i32) {
    %c0_i32 = arith.constant 0 : i32
    %c0_i32_0 = arith.constant 0 : i32
    %c0_i32_1 = arith.constant 0 : i32
    return %arg0, %c0_i32, %c0_i32_0 : i32, i32, i32
  }
  func.func @transform_10(%arg0: i32) -> (i32, i32, i32) {
    %c0_i32 = arith.constant 0 : i32
    %c0_i32_0 = arith.constant 0 : i32
    %c0_i32_1 = arith.constant 0 : i32
    return %arg0, %c0_i32, %c0_i32_0 : i32, i32, i32
  }
}

module attributes {stable_mosaic.version = 14 : i64} {
  func.func @_ffn_body(%arg0: i32, %arg1: i32, %arg2: memref<24xi32, #tpu.memory_space<smem>>, %arg3: memref<128x1024xf32, #tpu.memory_space<vmem>>, %arg4: memref<1x1024x512xf32, #tpu.memory_space<vmem>>, %arg5: memref<1x1x512xf32, #tpu.memory_space<vmem>>, %arg6: memref<1x512x1024xf32, #tpu.memory_space<vmem>>, %arg7: memref<1x1x1024xf32, #tpu.memory_space<vmem>>, %arg8: memref<128x128xf32, #tpu.memory_space<vmem>>, %arg9: memref<128x1024xf32, #tpu.memory_space<vmem>>, %arg10: memref<128x1024xf32, #tpu.memory_space<vmem>>) attributes {dimension_semantics = [#tpu.dimension_semantics<arbitrary>, #tpu.dimension_semantics<arbitrary>], iteration_bounds = array<i64: 24, 8>, scalar_prefetch = 1 : i64, scratch_operands = 1 : i64, tpu.core_type = #tpu.core_type<tc>, window_params = [{transform_indices = @transform_0, window_bounds = array<i64: 128, 1024>}, {transform_indices = @transform_1, window_bounds = array<i64: 1, 1024, 512>}, {transform_indices = @transform_2, window_bounds = array<i64: 1, 1, 512>}, {transform_indices = @transform_3, window_bounds = array<i64: 1, 512, 1024>}, {transform_indices = @transform_4, window_bounds = array<i64: 1, 1, 1024>}, {transform_indices = @transform_5, window_bounds = array<i64: 128, 128>}, {transform_indices = @transform_6, window_bounds = array<i64: 128, 1024>}]} {
    %get3A = arith.constant 0 : index
    %get3A_0 = arith.constant 0 : index
    %get3A_1 = vector.load %arg3[%get3A, %get3A_0] : memref<128x1024xf32, #tpu.memory_space<vmem>>, vector<128x1024xf32>
    %get3A_2 = arith.constant 0 : index
    %get3A_3 = arith.constant 0 : index
    %get3A_4 = arith.constant 0 : index
    %get3A_5 = vector.load %arg4[%get3A_2, %get3A_3, %get3A_4] : memref<1x1024x512xf32, #tpu.memory_space<vmem>>, vector<1x1024x512xf32>
    %get3A_6 = vector.shape_cast %get3A_5 : vector<1x1024x512xf32> to vector<1024x512xf32>
    %dot_general3A = arith.constant dense<0.000000e+00> : vector<128x512xf32>
    %dot_general3A_7 = tpu.matmul %get3A_1, %get3A_6, %dot_general3A {dimension_numbers = #tpu.dot_dimension_numbers<[1], [0], [0], [1], [0, 0, 1, 1], [], []>, transpose_lhs_hint = false} : vector<128x1024xf32>, vector<1024x512xf32>, vector<128x512xf32> -> vector<128x512xf32>
    %get3A_8 = arith.constant 0 : index
    %get3A_9 = arith.constant 0 : index
    %get3A_10 = arith.constant 0 : index
    %get3A_11 = vector.load %arg5[%get3A_8, %get3A_9, %get3A_10] : memref<1x1x512xf32, #tpu.memory_space<vmem>>, vector<1x1x512xf32>
    %get3A_12 = vector.shape_cast %get3A_11 : vector<1x1x512xf32> to vector<1x512xf32>
    %add3A = vector.broadcast %get3A_12 : vector<1x512xf32> to vector<128x512xf32>
    %add3A_13 = arith.addf %dot_general3A_7, %add3A : vector<128x512xf32>
    %max3A = arith.constant 0.000000e+00 : f32
    %max3A_14 = vector.broadcast %max3A : f32 to vector<128x512xf32>
    %max3A_15 = arith.maximumf %add3A_13, %max3A_14 : vector<128x512xf32>
    %get3A_16 = arith.constant 0 : index
    %get3A_17 = arith.constant 0 : index
    %get3A_18 = arith.constant 0 : index
    %get3A_19 = vector.load %arg6[%get3A_16, %get3A_17, %get3A_18] : memref<1x512x1024xf32, #tpu.memory_space<vmem>>, vector<1x512x1024xf32>
    %get3A_20 = vector.shape_cast %get3A_19 : vector<1x512x1024xf32> to vector<512x1024xf32>
    %dot_general3A_21 = arith.constant dense<0.000000e+00> : vector<128x1024xf32>
    %dot_general3A_22 = tpu.matmul %max3A_15, %get3A_20, %dot_general3A_21 {dimension_numbers = #tpu.dot_dimension_numbers<[1], [0], [0], [1], [0, 0, 1, 1], [], []>, transpose_lhs_hint = false} : vector<128x512xf32>, vector<512x1024xf32>, vector<128x1024xf32> -> vector<128x1024xf32>
    %eq3A = arith.constant 0 : i32
    %eq3A_23 = arith.cmpi eq, %arg1, %eq3A : i32
    %convert_element_type3A = arith.extui %eq3A_23 : i1 to i32
    %cond3A = arith.constant 0 : i32
    %cond3A_24 = arith.cmpi ne, %convert_element_type3A, %cond3A : i32
    scf.if %cond3A_24 {
      %swap3A = arith.constant 0 : index
      %swap3A_34 = arith.constant 0 : index
      %swap3A_35 = vector.load %arg10[%swap3A, %swap3A_34] : memref<128x1024xf32, #tpu.memory_space<vmem>>, vector<128x1024xf32>
      tpu.vector_store %arg10[%swap3A, %swap3A_34], %dot_general3A_22 {strides = array<i32>} : memref<128x1024xf32, #tpu.memory_space<vmem>>, vector<128x1024xf32>,
    } else {
    }
    %ne3A = arith.constant 0 : i32
    %ne3A_25 = arith.cmpi ne, %arg1, %ne3A : i32
    %convert_element_type3A_26 = arith.extui %ne3A_25 : i1 to i32
    %cond3A_27 = arith.constant 0 : i32
    %cond3A_28 = arith.cmpi ne, %convert_element_type3A_26, %cond3A_27 : i32
    scf.if %cond3A_28 {
      %get3A_34 = arith.constant 0 : index
      %get3A_35 = arith.constant 0 : index
      %get3A_36 = vector.load %arg10[%get3A_34, %get3A_35] : memref<128x1024xf32, #tpu.memory_space<vmem>>, vector<128x1024xf32>
      %add3A_37 = arith.addf %get3A_36, %dot_general3A_22 : vector<128x1024xf32>
      %swap3A = arith.constant 0 : index
      %swap3A_38 = arith.constant 0 : index
      %swap3A_39 = vector.load %arg10[%swap3A, %swap3A_38] : memref<128x1024xf32, #tpu.memory_space<vmem>>, vector<128x1024xf32>
      tpu.vector_store %arg10[%swap3A, %swap3A_38], %add3A_37 {strides = array<i32>} : memref<128x1024xf32, #tpu.memory_space<vmem>>, vector<128x1024xf32>,
    } else {
    }
    %eq3A_29 = arith.constant 7 : i32
    %eq3A_30 = arith.cmpi eq, %arg1, %eq3A_29 : i32
    %convert_element_type3A_31 = arith.extui %eq3A_30 : i1 to i32
    %cond3A_32 = arith.constant 0 : i32
    %cond3A_33 = arith.cmpi ne, %convert_element_type3A_31, %cond3A_32 : i32
    scf.if %cond3A_33 {
      %get3A_34 = arith.constant 0 : index
      %get3A_35 = arith.constant 0 : index
      %get3A_36 = vector.load %arg10[%get3A_34, %get3A_35] : memref<128x1024xf32, #tpu.memory_space<vmem>>, vector<128x1024xf32>
      %get3A_37 = arith.constant 0 : index
      %get3A_38 = arith.constant 0 : index
      %get3A_39 = arith.constant 0 : index
      %get3A_40 = vector.load %arg7[%get3A_37, %get3A_38, %get3A_39] : memref<1x1x1024xf32, #tpu.memory_space<vmem>>, vector<1x1x1024xf32>
      %get3A_41 = vector.shape_cast %get3A_40 : vector<1x1x1024xf32> to vector<1x1024xf32>
      %add3A_42 = vector.broadcast %get3A_41 : vector<1x1024xf32> to vector<128x1024xf32>
      %add3A_43 = arith.addf %get3A_36, %add3A_42 : vector<128x1024xf32>
      %get3A_44 = arith.constant 0 : index
      %get3A_45 = arith.constant 0 : index
      %get3A_46 = vector.load %arg8[%get3A_44, %get3A_45] : memref<128x128xf32, #tpu.memory_space<vmem>>, vector<128x1xf32>
      %mul3A = vector.broadcast %get3A_46 : vector<128x1xf32> to vector<128x1024xf32>
      %mul3A_47 = arith.mulf %add3A_43, %mul3A : vector<128x1024xf32>
      %swap3A = arith.constant 0 : index
      %swap3A_48 = arith.constant 0 : index
      %swap3A_49 = vector.load %arg9[%swap3A, %swap3A_48] : memref<128x1024xf32, #tpu.memory_space<vmem>>, vector<128x1024xf32>
      tpu.vector_store %arg9[%swap3A, %swap3A_48], %mul3A_47 {strides = array<i32>} : memref<128x1024xf32, #tpu.memory_space<vmem>>, vector<128x1024xf32>,
    } else {
    }
    return
  }
  func.func @transform_0(%arg0: i32, %arg1: i32, %arg2: memref<24xi32, #tpu.memory_space<smem>>) -> (i32, i32) {
    %c0_i32 = arith.constant 0 : i32
    %c0_i32_0 = arith.constant 0 : i32
    return %arg0, %c0_i32 : i32, i32
  }
  func.func @transform_1(%arg0: i32, %arg1: i32, %arg2: memref<24xi32, #tpu.memory_space<smem>>) -> (i32, i32, i32) {
    %get3A = arith.index_cast %arg0 : i32 to index
    %get3A_0 = memref.load %arg2[%get3A] : memref<24xi32, #tpu.memory_space<smem>>
    %c0_i32 = arith.constant 0 : i32
    %c0_i32_1 = arith.constant 0 : i32
    return %get3A_0, %c0_i32, %arg1 : i32, i32, i32
  }
  func.func @transform_2(%arg0: i32, %arg1: i32, %arg2: memref<24xi32, #tpu.memory_space<smem>>) -> (i32, i32, i32) {
    %get3A = arith.index_cast %arg0 : i32 to index
    %get3A_0 = memref.load %arg2[%get3A] : memref<24xi32, #tpu.memory_space<smem>>
    %c0_i32 = arith.constant 0 : i32
    %c0_i32_1 = arith.constant 0 : i32
    return %get3A_0, %c0_i32, %arg1 : i32, i32, i32
  }
  func.func @transform_3(%arg0: i32, %arg1: i32, %arg2: memref<24xi32, #tpu.memory_space<smem>>) -> (i32, i32, i32) {
    %get3A = arith.index_cast %arg0 : i32 to index
    %get3A_0 = memref.load %arg2[%get3A] : memref<24xi32, #tpu.memory_space<smem>>
    %c0_i32 = arith.constant 0 : i32
    %c0_i32_1 = arith.constant 0 : i32
    return %get3A_0, %arg1, %c0_i32 : i32, i32, i32
  }
  func.func @transform_4(%arg0: i32, %arg1: i32, %arg2: memref<24xi32, #tpu.memory_space<smem>>) -> (i32, i32, i32) {
    %get3A = arith.index_cast %arg0 : i32 to index
    %get3A_0 = memref.load %arg2[%get3A] : memref<24xi32, #tpu.memory_space<smem>>
    %c0_i32 = arith.constant 0 : i32
    %c0_i32_1 = arith.constant 0 : i32
    %c0_i32_2 = arith.constant 0 : i32
    return %get3A_0, %c0_i32, %c0_i32_1 : i32, i32, i32
  }
  func.func @transform_5(%arg0: i32, %arg1: i32, %arg2: memref<24xi32, #tpu.memory_space<smem>>) -> (i32, i32) {
    %c0_i32 = arith.constant 0 : i32
    %c0_i32_0 = arith.constant 0 : i32
    return %arg0, %c0_i32 : i32, i32
  }
  func.func @transform_6(%arg0: i32, %arg1: i32, %arg2: memref<24xi32, #tpu.memory_space<smem>>) -> (i32, i32) {
    %c0_i32 = arith.constant 0 : i32
    %c0_i32_0 = arith.constant 0 : i32
    return %arg0, %c0_i32 : i32, i32
  }
}

</mosaic_0001>

<sc_bundles>
// kernel: gather_offload_async_start.1
scs
__scs_entry_jumppad:
0x0: {  	(pc) =	sbr.rel $0x88, $3  }
0x1: {  	(tag) =	ssettag $0x0;
	lr =	simm.s32 $0x1  }
0x2: {  	[smem:$0x3F94] =	sst lr;
	_ =	strace $0xD0000000  }
0x3: {  	_ = 	snop  }
0x4: {  	_ = 	snop  }
0x5: {  	_ = 	snop  }
0x6: {  	_ = 	snop  }
0x7: {  	_ = 	snop  }
__scs_overlays_trampoline_lowered:
0x8: {  	[smem:$0x3FA3] =	sst s0  }
0x9: {  	[smem:$0x3FA4] =	sst s1  }
0xa: {  	[smem:$0x3FA5] =	sst s2  }
0xb: {  	[smem:$0x3FA6] =	sst s3  }
0xc: {  	[smem:$0x3FA7] =	sst s4  }
0xd: {  	[smem:$0x3FA8] =	sst s5  }
0xe: {  	[smem:$0x3FA9] =	sst s6  }
0xf: {  	[smem:$0x3FAA] =	sst s7  }
0x10: {  	[smem:$0x3FAB] =	sst s8  }
0x11: {  	[smem:$0x3FAC] =	sst s9;
	s0 =	simm.s32 @!p0 $0x0  }
0x12: {  	s1 =	sld [smem:$0x3F92];
	s0 =	simm.s32 @p0 $0x1  }
0x13: {  	[smem:$0x3FAD] =	sst s0;
	s0 =	simm.s32 @!p1 $0x0  }
0x14: {  	s2 =	sld [smem:$0x3F91];
	s0 =	simm.s32 @p1 $0x1  }
0x15: {  	[smem:$0x3FAE] =	sst s0;
	s0 =	simm.s32 @!p2 $0x0  }
0x16: {  	s3 =	sld [smem:$0x3FDB];
	s0 =	simm.s32 @p2 $0x1  }
0x17: {  	s4 =	simm.s32 $0x1BF5;
	[smem:$0x3FB0] =	sst s0  }
0x18: {  	s0 =	sld [smem:$0x3F93];
	_ =	swait.ge [sflag:s4], $0x0  }
0x19: {  	s7 =	sld [smem:$0x3F94]  }
0x1a: {  	s8 =	sadd.s32 $0xFFFFE003, lr  }
0x1b: {  	s9 =	sadd.s32 $0xFFFFFEF7, lr;
	s5 =	simm.s32 $0xFFFFFFFF;
	p2 =	slt.u32 s8, $0xFFFFF086  }
0x1c: {  	p1 =	slt.u32 s9, $0xF7A;
	s5 =	simm.s32 @!p2 $0x0  }
0x1d: {  	s5 =	simm.s32 @p1 $0x1;
	p0 =	seq.s32 s7, s2  }
0x1e: {  	s7 =	smul.u32 @!p0 $0xF7A, s2;
	p2 =	seq.s32 @!p0 s5, $0x0  }
0x1f: {  	s9 =	smul.u32 $0xF7A, s1;
	s8 =	simm.s32 @!p0 $0x1BF5;
	p2 =	por !p2, p0  }
0x20: {  	[sflag:s8] =	ssyncset.s32 @!p0 $0xFFFFF086;
	s6 =	sadd.s32 @!p0 s3, s7;
	s7 =	simm.s32 @!p0 $0x108  }
0x21: {  	s3 =	sadd.s32 s3, s9;
	s6 =	sadd.s32 @!p0 $0x88, s6;
	s7 =	simm.s32 @p2 $0x1082  }
0x22: {  	[simem:s7], [sflag:s8] =	dma.local @!p0 [hbm:s6], $0xF7A  }
0x23: {  	s9 =	sor.u32 $0xD0000000, s2;
	s6 =	simm.s32 $0x108;
	_ =	swait.ge @!p0 [sflag:s8], $0x0  }
0x24: {  	s3 =	sadd.s32 $0x88, s3;
	s6 =	simm.s32 @!p1 $0x1082;
	[sflag:s4] =	ssyncset.s32 $0xFFFFF086  }
0x25: {  	[simem:s6], [sflag:s4] =	dma.local [hbm:s3], $0xF7A  }
0x26: {  	[smem:$0x3F94] =	sst s1;
	(tag) =	ssettag s2;
	_ =	strace s9  }
0x27: {  	s1 =	sld [smem:$0x3FA4]  }
0x28: {  	s2 =	sld [smem:$0x3FA5]  }
0x29: {  	s4 =	sld [smem:$0x3FA7]  }
0x2a: {  	p0 =	seq.s32 s5, $0x0;
	s5 =	sld [smem:$0x3FA8]  }
0x2b: {  	s6 =	sld [smem:$0x3FA9]  }
0x2c: {  	s7 =	sld [smem:$0x3FAA]  }
0x2d: {  	s3 =	simm.s32 $0x108;
	s8 =	sld [smem:$0x3FAB]  }
0x2e: {  	s3 =	simm.s32 @!p0 $0x1082;
	s9 =	sld [smem:$0x3FAC]  }
0x2f: {  	lr =	sadd.s32 s0, s3;
	s0 =	sld [smem:$0x3FA3]  }
0x30: {  	s3 =	sld [smem:$0x3FA6]  }
0x31: {  	[smem:$0x3FAF] =	sst s10  }
0x32: {  	s10 =	sld [smem:$0x3FAD];
	_ =	sdelay $0x3  }
0x33: {  	p0 =	seq.s32 s10, $0x1;
	s10 =	sld [smem:$0x3FAF];
	_ =	sdelay $0x3  }
0x34: {  	[smem:$0x3FAF] =	sst s10  }
0x35: {  	s10 =	sld [smem:$0x3FAE];
	_ =	sdelay $0x3  }
0x36: {  	p1 =	seq.s32 s10, $0x1;
	s10 =	sld [smem:$0x3FAF];
	_ =	sdelay $0x3  }
0x37: {  	[smem:$0x3FAF] =	sst s10  }
0x38: {  	s10 =	sld [smem:$0x3FB0]  }
0x39: {  	_ = 	snop;
	(pc) =	sbr.ind lr, $3  }
0x3a: {  	_ = 	snop  }
0x3b: {  	_ = 	snop  }
0x3c: {  	p2 =	seq.s32 s10, $0x1;
	s10 =	sld [smem:$0x3FAF]  }
0x3d: {  	_ =	shalt  }
0x3e: {  	_ =	shalt  }
0x3f: {  	_ =	shalt  }
0x40: {  	_ =	shalt  }
0x41: {  	_ =	shalt  }
0x42: {  	_ =	shalt  }
0x43: {  	_ =	shalt  }
0x44: {  	_ =	shalt  }
0x45: {  	_ =	shalt  }
0x46: {  	_ =	shalt  }
0x47: {  	_ =	shalt  }
0x48: {  	_ =	shalt  }
0x49: {  	_ =	shalt  }
0x4a: {  	_ =	shalt  }
0x4b: {  	_ =	shalt  }
0x4c: {  	_ =	shalt  }
0x4d: {  	_ =	shalt  }
0x4e: {  	_ =	shalt  }
0x4f: {  	_ =	shalt  }
0x50: {  	_ =	shalt  }
0x51: {  	_ =	shalt  }
0x52: {  	_ =	shalt  }
0x53: {  	_ =	shalt  }
0x54: {  	_ =	shalt  }
0x55: {  	_ =	shalt  }
0x56: {  	_ =	shalt  }
0x57: {  	_ =	shalt  }
0x58: {  	_ =	shalt  }
0x59: {  	_ =	shalt  }
0x5a: {  	_ =	shalt  }
0x5b: {  	_ =	shalt  }
0x5c: {  	_ =	shalt  }
0x5d: {  	_ =	shalt  }
0x5e: {  	_ =	shalt  }
0x5f: {  	_ =	shalt  }
0x60: {  	_ =	shalt  }
0x61: {  	_ =	shalt  }
0x62: {  	_ =	shalt  }
0x63: {  	_ =	shalt  }
0x64: {  	_ =	shalt  }
0x65: {  	_ =	shalt  }
0x66: {  	_ =	shalt  }
0x67: {  	_ =	shalt  }
0x68: {  	_ =	shalt  }
0x69: {  	_ =	shalt  }
0x6a: {  	_ =	shalt  }
0x6b: {  	_ =	shalt  }
0x6c: {  	_ =	shalt  }
0x6d: {  	_ =	shalt  }
0x6e: {  	_ =	shalt  }
0x6f: {  	_ =	shalt  }
0x70: {  	_ =	shalt  }
0x71: {  	_ =	shalt  }
0x72: {  	_ =	shalt  }
0x73: {  	_ =	shalt  }
0x74: {  	_ =	shalt  }
0x75: {  	_ =	shalt  }
0x76: {  	_ =	shalt  }
0x77: {  	_ =	shalt  }
0x78: {  	_ =	shalt  }
0x79: {  	_ =	shalt  }
0x7a: {  	_ =	shalt  }
0x7b: {  	_ =	shalt  }
0x7c: {  	_ =	shalt  }
0x7d: {  	_ =	shalt  }
0x7e: {  	_ =	shalt  }
0x7f: {  	_ =	shalt  }
0x80: {  	_ =	shalt  }
0x81: {  	_ =	shalt  }
0x82: {  	_ =	shalt  }
0x83: {  	_ =	shalt  }
0x84: {  	_ =	shalt  }
0x85: {  	_ =	shalt  }
0x86: {  	_ =	shalt  }
0x87: {  	_ =	shalt  }
.Lfunc_end0:
.L_simem_size_0:
called_computation.2_lowered:
.L_overlay_start_0:
0x88: {  	s2 =	sld [smem:$0x3FD9]  }
0x89: {  	s3 =	sld [smem:$0x3FFE];
	_ =	sdelay $0x1  }
0x8a: {  	s1 =	srdreg.scid  }
0x8b: {  	s0 =	sand.u32 $0x1, s1  }
0x8c: {  	s16 =	sshll.u32 s0, $0xA;
	s2 =	sadd.s32 s3, s2  }
0x8d: {  	s2 =	sadd.s32 s2, s16  }
0x8e: {  	[smem:$0x3FBB] =	sst s2  }
0x8f: {  	_ = 	snop  }
0x90: {  	(tm) =	ssettm $0x1  }
0x91: {  	s17 =	sld [smem:$0x3FFB];
	_ =	sdelay $0x3  }
0x92: {  	_ =	strace s17  }
0x93: {  	s2 =	sld [smem:$0x3FFC];
	_ =	sdelay $0x3  }
0x94: {  	_ =	strace s2  }
0x95: {  	s2 =	sld [smem:$0x3FFD];
	_ =	sdelay $0x3  }
0x96: {  	_ =	strace s2  }
0x97: {  	_ =	strace $0x8FFFFFFF  }
0x98: {  	s18 =	sld [smem:$0x3FDB];
	_ =	sdelay $0x1  }
0x99: {  	s19 =	simm.s32 $_scs_section_size  }
0x9a: {  	s4 =	simm.s32 $_size__tile_overlayer_lowered;
	s5 =	simm.s32 $_tile_overlayer_lowered  }
0x9b: {  	s22 =	simm.s32 $0x1BFF;
	s21 =	sshll.u32 s5, $0x1;
	s2 =	sadd.s32 s19, s18  }
0x9c: {  	s6 =	simm.s32 $0x0;
	s20 =	sshll.u32 s4, $0x1;
	s4 =	sadd.s32 s21, s2  }
0x9d: {  	[timem:s6], [sflag:s22] =	dma.local [hbm:s4], s20  }
0x9e: {  	_ =	swait.ge [sflag:s22], s20  }
0x9f: {  	s3 =	ssub.s32 $0x0, s20;
	[sflag:s22] =	ssyncset.done $0x0  }
0xa0: {  	[sflag:s22] =	ssyncadd.s32 s3;
	_ =	sdelay $0x1  }
0xa1: {  	s23 =	simm.s32 $0x1B8B  }
0xa2: {  	_ =	swait.ge [sflag:s23], $0x1  }
0xa3: {  	[sflag:s23] =	ssyncset.done $0x0  }
0xa4: {  	s25 =	simm.s32 $0x1B8E;
	s24 =	sld [smem:$0x3FFE];
	[sflag:s23] =	ssyncadd.s32 $0xFFFFFFFF  }
0xa5: {  	s26 =	simm.s32 $execute0_lowered;
	[smem:$0x3FD2] =	sst s25  }
0xa6: {  	s4 =	sshll.u32 s26, $0x1;
	_ =	strace $0x80000049;
	[dreg:$0x1] =	wrdreg $0xFFFFFFFF  }
0xa7: {  	s28 =	simm.s32 $_size_execute0_lowered;
	s2 =	sadd.s32 s2, s4;
	[dreg:$0x0] =	wrdreg $0x0  }
0xa8: {  	s4 =	sshll.u32 s28, $0x1;
	[dreg:$0x2] =	wrdreg s2  }
0xa9: {  	[dreg:$0x3] =	wrdreg s4  }
0xaa: {  	[dreg:$0x4] =	wrdreg $0xC0  }
0xab: {  	_ =	task [dreg:s6], $0x5FFFF  }
0xac: {  	[dreg:$0x1] =	wrdreg $0xFFFFFFFF  }
0xad: {  	[dreg:$0x0] =	wrdreg $0x60  }
0xae: {  	[dreg:$0x2] =	wrdreg s24  }
0xaf: {  	[dreg:$0x3] =	wrdreg $0x9  }
0xb0: {  	_ =	task.clear_ibuf [dreg:s6], $0x4FFFF;
	_ =	strace $0x90000049  }
0xb1: {  	s29 =	simm.s32 $0x9;
	_ =	strace $0x8000004B  }
0xb2: {  	_ =	swait.ge [sflag:s29], $0x1  }
0xb3: {  	[sflag:s29] =	ssyncadd.s32 $0xFFFFFFFF  }
0xb4: {  	_ =	strace $0x9000004B  }
0xb5: {  	_ =	sfence  }
0xb6: {  	s30 =	sld [smem:$0x0];
	_ =	sdelay $0x2  }
0xb7: {  	s31 =	sshll.u32 s1, $0xD;
	s1 =	sshrl.u32 s1, $0x2  }
0xb8: {  	s3 =	sand.u32 $0x4000, s31;
	s1 =	sadd.s32 s1, s30  }
0xb9: {  	s0 =	sor.u32 s3, s0;
	s1 =	sshll.u32 s1, $0x11  }
0xba: {  	s0 =	sor.u32 s1, s0  }
0xbb: {  	s0 =	sadd.s32 $0x8F2B, s0  }
0xbc: {  	[sflag:s0] =	ssyncadd.remote.s32 $0x1  }
0xbd: {  	_ =	sfence.sel $0xFFFF  }
0xbe: {  	[dreg:$0x0] =	wrdreg $0xFFFFFFFF;
	(pc) =	sbr.abs _section_cstart, $3  }
0xbf: {  	[dreg:$0x1] =	wrdreg $0xFFFFFFFF  }
0xc0: {  	_ =	task.clear_ibuf [dreg:s6], $0x2FFFF;
	_ =	strace $0x9FFFFFFF  }
0xc1: {  	(tm) =	ssettm $0x7FFFFFFF  }
tec
execute0_lowered:
.L_overlay_start_1:
0x0: {  	(tag) =	ssettag $0x1  }
0x1: {  	s0 =	srdreg.scid;
	s5 =	rddreg [dreg:$0x0]  }
0x2: {  	s1 =	stileid.u32;
	s6 =	simm.s32 $0x1;
	s9 =	simm.s32 $0x1  }
0x3: {  	s10 =	simm.s32 $0x3;
	s13 =	simm.s32 $0x0;
	s2 =	sshll.u32 s0, $0x6  }
0x4: {  	s12 =	simm.s32 $0x0;
	s3 =	sshll.u32 s1, $0x7;
	s2 =	sand.u32 $0x40, s2  }
0x5: {  	s0 =	rddreg [dreg:$0x1];
	_ =	strace $0x8000004A;
	s2 =	sor.u32 s3, s2  }
0x6: {  	s4 =	sadd.s32 $0x5A00, s5;
	[sflag:s6] =	ssyncpa.u1 $0x0;
	s8 =	ssub.s32 $0xC00, s2  }
.Ltmp0:
0x7: {  	s3 =	sadd.s32 $0x3600, s5;
	s7 =	sand.u32 $0x7C0, s8;
	(pc) =	sbr.rel .LBB2_1-.Ltmp0, $4  }
0x8: {  	s5 =	sadd.s32 $0x5C00, s5;
	s11 =	smov.u32 s2;
	p0 =	sne.s32 s7, $0x0  }
0x9: {  	s8 =	sshrl.u32 s8, $0xB;
	s7 =	simm.s32 $0x2;
	s9 =	simm.s32 @!p0 $0x0  }
0xa: {  	[sflag:s7] =	ssyncpa.u1 $0x0;
	p0 =	por $0x0, $0x0;
	s8 =	sadd.s32 s9, s8  }
0xb: {  	vm0 =	vmmov $0xffff;
	[sflag:s10] =	ssyncpa.u1 $0x0;
	s10 =	simm.s32 $0x0;
	s9 =	sadd.s32 $0x1, s8  }
.LBB2_4:
0xc: {  	v2 =	vnsel vm1, $0x0, v2  }
0xd: {  	vm1 =	vgt.s32 v0, $0x0;
	v2 =	vmin.u32 v2, $0x7FF  }
0xe: {  	v0 =	vnsel vm1, $0x0, v0  }
0xf: {  	v0 =	vmin.u32 v0, $0x7FF  }
0x10: {  	[tilespmem:s15], [sflag:$0x1] =	stream.indirect_vreg.gather [hbm4b:s3+s10], $0x1, v1, vm0, $0x4038;
	[tilespmem:$0x100] =	vst v63  }
0x11: {  	(ifvalue) =	ssetifvalue $0x7FFFFFFF  }
0x12: {  	[tilespmem:s16], [sflag:$0x1] =	stream.indirect_vreg.gather [hbm4b:s3+s10], $0x1, v2, vm0, $0x4038;
	[tilespmem:$0x100] =	vst v63  }
0x13: {  	s29 =	sadd.s32 $0x10, s16;
	(ifvalue) =	ssetifvalue $0x7FFFFFFF  }
0x14: {  	[tilespmem:s29], [sflag:$0x1] =	stream.indirect_vreg.gather [hbm4b:s3+s10], $0x1, v0, vm0, $0x4038;
	[tilespmem:$0x100] =	vst v63  }
0x15: {  	_ =	swait.ge [sflag:s6], $0x40  }
0x16: {  	s30 =	sshrl.u32 s13, $0x3;
	[sflag:s6] =	ssyncset.done $0x0  }
0x17: {  	s31 =	sand.u32 $0x7, s13;
	s15 =	sadd.s32 s5, s30;
	[sflag:s6] =	ssyncadd.s32 $0xFFFFFFC0  }
0x18: {  	[hbm4b:s15+s31] =	stream.linear.scatter [tilespmem:s14], [sflag:$0x3], $0x40, $0x38;
	[tilespmem:$0x100] =	vst v63  }
.LBB2_5:
0x19: {  	s15 =	sadd.s32 $0x800, s11  }
0x1a: {  	p2 =	sgt.s32 s15, $0xBFF  }
0x1b: {  	s15 =	smov.u32 @p2 s2;
	p2 =	sne.s32 s12, s9  }
.Ltmp1:
0x1c: {  	p1 =	slt.u32 s12, $0x2;
	(pc) =	sbr.rel @!p2 .LBB2_6-.Ltmp1, $4  }
0x1d: {  	s14 =	simm.s32 @!p1 $0x3  }
0x1e: {  	s16 =	sadd.s32 $0x1, s12;
	_ =	swait.ge @!p1 [sflag:s14], $0x40  }
0x1f: {  	s13 =	smov.u32 s11;
	p0 =	por !p0, !p0;
	[sflag:s14] =	ssyncset.done @!p1 $0x0  }
0x20: {  	s12 =	smov.u32 s16;
	s11 =	smov.u32 s15;
	[sflag:s14] =	ssyncadd.s32 @!p1 $0xFFFFFFC0  }
.LBB2_1:
0x21: {  	p1 =	sge.u32 s12, s8  }
0x22: {  	s14 =	sxor.u32 @!p1 $0xFFFFFFFF, s12  }
0x23: {  	s31 =	sadd.s32 $0xFFFFFFFF, s12;
	s15 =	sshrl.u32 @!p1 s11, $0x3;
	s14 =	sshll.u32 @!p1 s14, $0x6  }
0x24: {  	s16 =	sand.u32 @!p1 $0x7, s11;
	s15 =	sadd.s32 @!p1 s4, s15;
	s14 =	sand.u32 @!p1 $0x40, s14  }
0x25: {  	[tilespmem:s14], [sflag:$0x2] =	stream.linear.gather @!p1 [hbm4b:s15+s16], $0x40, $0x38;
	[tilespmem:$0x100] =	vst v63  }
0x26: {  	p1 =	sge.u32 s31, s8  }
.Ltmp2:
0x27: {  	_ = 	snop;
	(pc) =	sbr.rel @p1 .LBB2_5-.Ltmp2, $1  }
0x28: {  	_ =	sdelay $0x3  }
0x29: {  	s14 =	simm.s32 $0x1  }
0x2a: {  	_ =	swait.ge [sflag:s7], $0x40;
	s14 =	simm.s32 @!p0 $0x0  }
0x2b: {  	[sflag:s7] =	ssyncset.done $0x0;
	s14 =	sshll.u32 s14, $0x6  }
0x2c: {  	[sflag:s7] =	ssyncadd.s32 $0xFFFFFFC0;
	(ifvalue) =	ssetifvalue $0x7FFFFFFF;
	v0 =	vld.msk [tilespmem:s14+$0x0 ss:$0x1], $0xffff;
	_ =	sdelay $0x4  }
0x2d: {  	s15 =	sadd.s32 $0x10, s14;
	vm1 =	vgt.s32 v0, $0x0  }
0x2e: {  	v2 =	vld.msk [tilespmem:s15+$0x0 ss:$0x1], $0xffff;
	v1 =	vnsel vm1, $0x0, v0  }
0x2f: {  	v1 =	vmin.u32 v1, $0x7FF;
	_ =	sdelay $0x1  }
0x30: {  	s16 =	sshll.u32 s12, $0x6;
	s18 =	simm.s32 $0x20  }
0x31: {  	s16 =	sand.u32 $0x40, s16;
	s17 =	sadd.s32 $0x10, s15;
	s15 =	sor.u32 $0x80, s14  }
0x32: {  	s14 =	sor.u32 $0x80, s16;
	s16 =	sadd.s32 $0x10, s15;
	v0 =	vld.msk [tilespmem:s17+$0x0 ss:$0x1], $0xffff;
	vm1 =	vgt.s32 v2, $0x0;
	(ifvalue) =	ssetifvalue $0x7FFFFFFF  }
.LBB2_3:
0x33: {  	[tilespmem:s15], [sflag:$0x1] =	stream.indirect_vreg.gather [hbm4b:s3+s10], $0x1, v1, vm0, $0x4038;
	[tilespmem:$0x100] =	vst v63  }
0x34: {  	s18 =	sadd.s32 $0x10, s18  }
0x35: {  	v2 =	vnsel vm1, $0x0, v2;
	p1 =	slt.u32 s18, $0x30  }
.Ltmp3:
0x36: {  	s15 =	smov.u32 s16;
	v1 =	vmin.u32 v2, $0x7FF;
	(pc) =	sbr.rel @p1 .LBB2_3-.Ltmp3, $3  }
0x37: {  	_ =	sdelay $0x1  }
0x38: {  	s17 =	sadd.s32 $0x10, s17  }
0x39: {  	vm1 =	vgt.s32 v0, $0x0;
	s16 =	sadd.s32 $0x10, s16;
	v2 =	vmov v0;
	(ifvalue) =	ssetifvalue $0x7FFFFFFF;
	v0 =	vld.msk [tilespmem:s17+$0x0 ss:$0x1], $0xffff  }
.Ltmp4:
0x3a: {  	_ = 	snop;
	(pc) =	sbr.rel .LBB2_4-.Ltmp4, $1  }
0x3b: {  	_ =	sdelay $0x3  }
.LBB2_6:
0x3c: {  	_ =	sfence.sel $0x180000  }
0x3d: {  	s2 =	simm.s32 $0x2;
	[bflag:$0x0] =	sbarrier.arrive $0xFFFF  }
0x3e: {  	s30 =	simm.s32 $0x3;
	[sflag:s2] =	ssyncpa.u1 $0x1  }
0x3f: {  	s31 =	simm.s32 $0x1;
	[sflag:s30] =	ssyncpa.u1 $0x1  }
0x40: {  	[sflag:s31] =	ssyncpa.u1 $0x1  }
0x41: {  	p0 =	sne.s32 s1, $0x0;
	_ =	strace $0x9000004A  }
0x42: {  	s0 =	sadd.s32 @!p0 $0x100000, s0;
	[bflag:$0x2] =	sbarrier.arrive $0xFFFF  }
0x43: {  	[sflag:s0] =	ssyncadd.tile.s32 @!p0 $0x1;
	_ =	shalt  }
.Lfunc_end2:
_tile_overlayer_lowered:
.L_overlay_start_2:
0x44: {  	(tag) =	ssettag $0x2  }
0x45: {  	s0 =	rddreg [dreg:$0x0];
	s2 =	stileid.u32  }
0x46: {  	s1 =	rddreg [dreg:$0x1];
	p0 =	sne.s32 s2, $0x0  }
0x47: {  	s3 =	rddreg [dreg:$0x2];
	[bflag:$0x3] =	sbarrier.arrive $0xFFFF;
	s2 =	simm.s32 @!p0 $0x1C01  }
0x48: {  	[timem:s3], [sflag:s2] =	dma.local @!p0 [hbm:s0], s1  }
0x49: {  	s0 =	simm.s32 @!p0 $0x1  }
0x4a: {  	_ =	swait.ge @!p0 [sflag:s0], s1  }
0x4b: {  	s1 =	ssub.s32 @!p0 $0x0, s1;
	[sflag:s0] =	ssyncset.done @!p0 $0x0  }
0x4c: {  	[sflag:s0] =	ssyncadd.s32 @!p0 s1  }
0x4d: {  	[bflag:$0x3] =	sbarrier.arrive $0xFFFF  }
0x4e: {  	_ =	shalt  }

// kernel: gather_offload_async_start.2
scs
__scs_entry_jumppad:
0x0: {  	(pc) =	sbr.rel $0x88, $3  }
0x1: {  	(tag) =	ssettag $0x0;
	lr =	simm.s32 $0x1  }
0x2: {  	[smem:$0x3F94] =	sst lr;
	_ =	strace $0xD0000000  }
0x3: {  	_ = 	snop  }
0x4: {  	_ = 	snop  }
0x5: {  	_ = 	snop  }
0x6: {  	_ = 	snop  }
0x7: {  	_ = 	snop  }
__scs_overlays_trampoline_lowered:
0x8: {  	[smem:$0x3FA3] =	sst s0  }
0x9: {  	[smem:$0x3FA4] =	sst s1  }
0xa: {  	[smem:$0x3FA5] =	sst s2  }
0xb: {  	[smem:$0x3FA6] =	sst s3  }
0xc: {  	[smem:$0x3FA7] =	sst s4  }
0xd: {  	[smem:$0x3FA8] =	sst s5  }
0xe: {  	[smem:$0x3FA9] =	sst s6  }
0xf: {  	[smem:$0x3FAA] =	sst s7  }
0x10: {  	[smem:$0x3FAB] =	sst s8  }
0x11: {  	[smem:$0x3FAC] =	sst s9;
	s0 =	simm.s32 @!p0 $0x0  }
0x12: {  	s1 =	sld [smem:$0x3F92];
	s0 =	simm.s32 @p0 $0x1  }
0x13: {  	[smem:$0x3FAD] =	sst s0;
	s0 =	simm.s32 @!p1 $0x0  }
0x14: {  	s2 =	sld [smem:$0x3F91];
	s0 =	simm.s32 @p1 $0x1  }
0x15: {  	[smem:$0x3FAE] =	sst s0;
	s0 =	simm.s32 @!p2 $0x0  }
0x16: {  	s3 =	sld [smem:$0x3FDB];
	s0 =	simm.s32 @p2 $0x1  }
0x17: {  	s4 =	simm.s32 $0x1BF5;
	[smem:$0x3FB0] =	sst s0  }
0x18: {  	s0 =	sld [smem:$0x3F93];
	_ =	swait.ge [sflag:s4], $0x0  }
0x19: {  	s7 =	sld [smem:$0x3F94]  }
0x1a: {  	s8 =	sadd.s32 $0xFFFFE003, lr  }
0x1b: {  	s9 =	sadd.s32 $0xFFFFFEF7, lr;
	s5 =	simm.s32 $0xFFFFFFFF;
	p2 =	slt.u32 s8, $0xFFFFF086  }
0x1c: {  	p1 =	slt.u32 s9, $0xF7A;
	s5 =	simm.s32 @!p2 $0x0  }
0x1d: {  	s5 =	simm.s32 @p1 $0x1;
	p0 =	seq.s32 s7, s2  }
0x1e: {  	s7 =	smul.u32 @!p0 $0xF7A, s2;
	p2 =	seq.s32 @!p0 s5, $0x0  }
0x1f: {  	s9 =	smul.u32 $0xF7A, s1;
	s8 =	simm.s32 @!p0 $0x1BF5;
	p2 =	por !p2, p0  }
0x20: {  	[sflag:s8] =	ssyncset.s32 @!p0 $0xFFFFF086;
	s6 =	sadd.s32 @!p0 s3, s7;
	s7 =	simm.s32 @!p0 $0x108  }
0x21: {  	s3 =	sadd.s32 s3, s9;
	s6 =	sadd.s32 @!p0 $0x88, s6;
	s7 =	simm.s32 @p2 $0x1082  }
0x22: {  	[simem:s7], [sflag:s8] =	dma.local @!p0 [hbm:s6], $0xF7A  }
0x23: {  	s9 =	sor.u32 $0xD0000000, s2;
	s6 =	simm.s32 $0x108;
	_ =	swait.ge @!p0 [sflag:s8], $0x0  }
0x24: {  	s3 =	sadd.s32 $0x88, s3;
	s6 =	simm.s32 @!p1 $0x1082;
	[sflag:s4] =	ssyncset.s32 $0xFFFFF086  }
0x25: {  	[simem:s6], [sflag:s4] =	dma.local [hbm:s3], $0xF7A  }
0x26: {  	[smem:$0x3F94] =	sst s1;
	(tag) =	ssettag s2;
	_ =	strace s9  }
0x27: {  	s1 =	sld [smem:$0x3FA4]  }
0x28: {  	s2 =	sld [smem:$0x3FA5]  }
0x29: {  	s4 =	sld [smem:$0x3FA7]  }
0x2a: {  	p0 =	seq.s32 s5, $0x0;
	s5 =	sld [smem:$0x3FA8]  }
0x2b: {  	s6 =	sld [smem:$0x3FA9]  }
0x2c: {  	s7 =	sld [smem:$0x3FAA]  }
0x2d: {  	s3 =	simm.s32 $0x108;
	s8 =	sld [smem:$0x3FAB]  }
0x2e: {  	s3 =	simm.s32 @!p0 $0x1082;
	s9 =	sld [smem:$0x3FAC]  }
0x2f: {  	lr =	sadd.s32 s0, s3;
	s0 =	sld [smem:$0x3FA3]  }
0x30: {  	s3 =	sld [smem:$0x3FA6]  }
0x31: {  	[smem:$0x3FAF] =	sst s10  }
0x32: {  	s10 =	sld [smem:$0x3FAD];
	_ =	sdelay $0x3  }
0x33: {  	p0 =	seq.s32 s10, $0x1;
	s10 =	sld [smem:$0x3FAF];
	_ =	sdelay $0x3  }
0x34: {  	[smem:$0x3FAF] =	sst s10  }
0x35: {  	s10 =	sld [smem:$0x3FAE];
	_ =	sdelay $0x3  }
0x36: {  	p1 =	seq.s32 s10, $0x1;
	s10 =	sld [smem:$0x3FAF];
	_ =	sdelay $0x3  }
0x37: {  	[smem:$0x3FAF] =	sst s10  }
0x38: {  	s10 =	sld [smem:$0x3FB0]  }
0x39: {  	_ = 	snop;
	(pc) =	sbr.ind lr, $3  }
0x3a: {  	_ = 	snop  }
0x3b: {  	_ = 	snop  }
0x3c: {  	p2 =	seq.s32 s10, $0x1;
	s10 =	sld [smem:$0x3FAF]  }
0x3d: {  	_ =	shalt  }
0x3e: {  	_ =	shalt  }
0x3f: {  	_ =	shalt  }
0x40: {  	_ =	shalt  }
0x41: {  	_ =	shalt  }
0x42: {  	_ =	shalt  }
0x43: {  	_ =	shalt  }
0x44: {  	_ =	shalt  }
0x45: {  	_ =	shalt  }
0x46: {  	_ =	shalt  }
0x47: {  	_ =	shalt  }
0x48: {  	_ =	shalt  }
0x49: {  	_ =	shalt  }
0x4a: {  	_ =	shalt  }
0x4b: {  	_ =	shalt  }
0x4c: {  	_ =	shalt  }
0x4d: {  	_ =	shalt  }
0x4e: {  	_ =	shalt  }
0x4f: {  	_ =	shalt  }
0x50: {  	_ =	shalt  }
0x51: {  	_ =	shalt  }
0x52: {  	_ =	shalt  }
0x53: {  	_ =	shalt  }
0x54: {  	_ =	shalt  }
0x55: {  	_ =	shalt  }
0x56: {  	_ =	shalt  }
0x57: {  	_ =	shalt  }
0x58: {  	_ =	shalt  }
0x59: {  	_ =	shalt  }
0x5a: {  	_ =	shalt  }
0x5b: {  	_ =	shalt  }
0x5c: {  	_ =	shalt  }
0x5d: {  	_ =	shalt  }
0x5e: {  	_ =	shalt  }
0x5f: {  	_ =	shalt  }
0x60: {  	_ =	shalt  }
0x61: {  	_ =	shalt  }
0x62: {  	_ =	shalt  }
0x63: {  	_ =	shalt  }
0x64: {  	_ =	shalt  }
0x65: {  	_ =	shalt  }
0x66: {  	_ =	shalt  }
0x67: {  	_ =	shalt  }
0x68: {  	_ =	shalt  }
0x69: {  	_ =	shalt  }
0x6a: {  	_ =	shalt  }
0x6b: {  	_ =	shalt  }
0x6c: {  	_ =	shalt  }
0x6d: {  	_ =	shalt  }
0x6e: {  	_ =	shalt  }
0x6f: {  	_ =	shalt  }
0x70: {  	_ =	shalt  }
0x71: {  	_ =	shalt  }
0x72: {  	_ =	shalt  }
0x73: {  	_ =	shalt  }
0x74: {  	_ =	shalt  }
0x75: {  	_ =	shalt  }
0x76: {  	_ =	shalt  }
0x77: {  	_ =	shalt  }
0x78: {  	_ =	shalt  }
0x79: {  	_ =	shalt  }
0x7a: {  	_ =	shalt  }
0x7b: {  	_ =	shalt  }
0x7c: {  	_ =	shalt  }
0x7d: {  	_ =	shalt  }
0x7e: {  	_ =	shalt  }
0x7f: {  	_ =	shalt  }
0x80: {  	_ =	shalt  }
0x81: {  	_ =	shalt  }
0x82: {  	_ =	shalt  }
0x83: {  	_ =	shalt  }
0x84: {  	_ =	shalt  }
0x85: {  	_ =	shalt  }
0x86: {  	_ =	shalt  }
0x87: {  	_ =	shalt  }
.Lfunc_end0:
.L_simem_size_0:
called_computation.3_lowered:
.L_overlay_start_0:
0x88: {  	s2 =	sld [smem:$0x3FD9]  }
0x89: {  	s3 =	sld [smem:$0x3FFE];
	_ =	sdelay $0x1  }
0x8a: {  	s1 =	srdreg.scid  }
0x8b: {  	s0 =	sand.u32 $0x1, s1  }
0x8c: {  	s17 =	sshll.u32 s0, $0xA;
	s2 =	sadd.s32 s3, s2  }
0x8d: {  	s2 =	sadd.s32 s2, s17  }
0x8e: {  	[smem:$0x3FBB] =	sst s2  }
0x8f: {  	_ = 	snop  }
0x90: {  	(tm) =	ssettm $0x1  }
0x91: {  	s18 =	sld [smem:$0x3FFB];
	_ =	sdelay $0x3  }
0x92: {  	_ =	strace s18  }
0x93: {  	s2 =	sld [smem:$0x3FFC];
	_ =	sdelay $0x3  }
0x94: {  	_ =	strace s2  }
0x95: {  	s2 =	sld [smem:$0x3FFD];
	_ =	sdelay $0x3  }
0x96: {  	_ =	strace s2  }
0x97: {  	_ =	strace $0x8FFFFFFF  }
0x98: {  	s19 =	sld [smem:$0x3FDB];
	_ =	sdelay $0x1  }
0x99: {  	s20 =	simm.s32 $_scs_section_size  }
0x9a: {  	s4 =	simm.s32 $_size__tile_overlayer_lowered;
	s5 =	simm.s32 $_tile_overlayer_lowered  }
0x9b: {  	s6 =	simm.s32 $0x1BFF;
	s21 =	sshll.u32 s5, $0x1;
	s3 =	sadd.s32 s20, s19  }
0x9c: {  	s22 =	simm.s32 $0x0;
	s4 =	sshll.u32 s4, $0x1;
	s5 =	sadd.s32 s21, s3  }
0x9d: {  	[timem:s22], [sflag:s6] =	dma.local [hbm:s5], s4  }
0x9e: {  	_ =	swait.ge [sflag:s6], s4  }
0x9f: {  	s4 =	ssub.s32 $0x0, s4;
	[sflag:s6] =	ssyncset.done $0x0  }
0xa0: {  	[sflag:s6] =	ssyncadd.s32 s4;
	_ =	sdelay $0x1  }
0xa1: {  	s23 =	simm.s32 $0x1B8B  }
0xa2: {  	_ =	swait.ge [sflag:s23], $0x1  }
0xa3: {  	[sflag:s23] =	ssyncset.done $0x0  }
0xa4: {  	[sflag:s23] =	ssyncadd.s32 $0xFFFFFFFF  }
0xa5: {  	s4 =	sld [smem:$0x0]  }
0xa6: {  	s5 =	sand.u32 $0xFFFFFFFE, s1  }
0xa7: {  	p0 =	sne.s32 s1, s5  }
0xa8: {  	s5 =	sshll.u32 @p0 s5, $0xE  }
0xa9: {  	s5 =	sadd.s32 @p0 $0x11B8D, s5;
	s6 =	sshll.u32 @p0 s4, $0x11  }
0xaa: {  	s5 =	sor.u32 @p0 s6, s5  }
0xab: {  	[sflag:s5] =	ssyncadd.remote.s32 @p0 $0x1;
	_ =	sdelay $0x1  }
0xac: {  	s5 =	simm.s32 @p0 $0x1B8D  }
0xad: {  	_ =	swait.eq @p0 [sflag:s5], $0x1  }
0xae: {  	[sflag:s5] =	ssyncadd.s32 @p0 $0xFFFFFFFF  }
0xaf: {  	s6 =	sshll.u32 @!p0 s1, $0xE  }
0xb0: {  	s6 =	sor.u32 @!p0 $0x4000, s6;
	s5 =	simm.s32 @!p0 $0x1B8D  }
0xb1: {  	s4 =	sshll.u32 @!p0 s4, $0x11;
	s6 =	sadd.s32 @!p0 $0x11B8D, s6;
	_ =	swait.eq @!p0 [sflag:s5], $0x1  }
0xb2: {  	s4 =	sor.u32 @!p0 s4, s6;
	[sflag:s5] =	ssyncadd.s32 @!p0 $0xFFFFFFFF  }
0xb3: {  	s25 =	simm.s32 $0x1B8E;
	s24 =	sld [smem:$0x3FFE];
	[sflag:s4] =	ssyncadd.remote.s32 @!p0 $0x1  }
0xb4: {  	s26 =	simm.s32 $execute0_lowered;
	[smem:$0x3FD2] =	sst s25  }
0xb5: {  	s5 =	sshll.u32 s26, $0x1;
	_ =	strace $0x8000004F;
	[dreg:$0x1] =	wrdreg $0xFFFFFFFF  }
0xb6: {  	s28 =	simm.s32 $_size_execute0_lowered;
	s3 =	sadd.s32 s3, s5;
	[dreg:$0x0] =	wrdreg $0x0  }
0xb7: {  	s5 =	sshll.u32 s28, $0x1;
	[dreg:$0x2] =	wrdreg s3  }
0xb8: {  	[dreg:$0x3] =	wrdreg s5  }
0xb9: {  	[dreg:$0x4] =	wrdreg $0xC0  }
0xba: {  	_ =	task [dreg:s22], $0x5FFFF  }
0xbb: {  	[dreg:$0x1] =	wrdreg $0xFFFFFFFF  }
0xbc: {  	[dreg:$0x0] =	wrdreg $0x60  }
0xbd: {  	[dreg:$0x2] =	wrdreg s24  }
0xbe: {  	[dreg:$0x3] =	wrdreg $0xA  }
0xbf: {  	_ =	task.clear_ibuf [dreg:s22], $0x4FFFF;
	_ =	strace $0x9000004F  }
0xc0: {  	s29 =	simm.s32 $0xA;
	_ =	strace $0x80000051  }
0xc1: {  	_ =	swait.ge [sflag:s29], $0x1  }
0xc2: {  	[sflag:s29] =	ssyncadd.s32 $0xFFFFFFFF  }
0xc3: {  	_ =	strace $0x90000051  }
0xc4: {  	_ =	sfence  }
0xc5: {  	s30 =	sld [smem:$0x0];
	_ =	sdelay $0x2  }
0xc6: {  	s31 =	sshll.u32 s1, $0xD;
	s1 =	sshrl.u32 s1, $0x2  }
0xc7: {  	s4 =	sand.u32 $0x4000, s31;
	s1 =	sadd.s32 s1, s30  }
0xc8: {  	s0 =	sor.u32 s4, s0;
	s1 =	sshll.u32 s1, $0x11  }
0xc9: {  	s0 =	sor.u32 s1, s0  }
0xca: {  	s0 =	sadd.s32 $0x8F2B, s0  }
0xcb: {  	[sflag:s0] =	ssyncadd.remote.s32 $0x1  }
0xcc: {  	_ =	sfence.sel $0xFFFF  }
0xcd: {  	[dreg:$0x0] =	wrdreg $0xFFFFFFFF;
	(pc) =	sbr.abs _section_cstart, $3  }
0xce: {  	[dreg:$0x1] =	wrdreg $0xFFFFFFFF  }
0xcf: {  	_ =	task.clear_ibuf [dreg:s22], $0x2FFFF;
	_ =	strace $0x9FFFFFFF  }
0xd0: {  	(tm) =	ssettm $0x7FFFFFFF  }
0xd1: {  	_ =	shalt  }
tec
execute0_lowered:
.L_overlay_start_1:
0x0: {  	(tag) =	ssettag $0x1  }
0x1: {  	s0 =	srdreg.scid;
	s5 =	rddreg [dreg:$0x0]  }
0x2: {  	s1 =	stileid.u32;
	s6 =	simm.s32 $0x1;
	s9 =	simm.s32 $0x1  }
0x3: {  	s10 =	simm.s32 $0x3;
	s13 =	simm.s32 $0x0;
	s2 =	sshll.u32 s0, $0x6  }
0x4: {  	s12 =	simm.s32 $0x0;
	s3 =	sshll.u32 s1, $0x7;
	s2 =	sand.u32 $0x40, s2  }
0x5: {  	s0 =	rddreg [dreg:$0x1];
	_ =	strace $0x80000050;
	s2 =	sor.u32 s3, s2  }
0x6: {  	s4 =	sadd.s32 $0x3400, s5;
	[sflag:s6] =	ssyncpa.u1 $0x0;
	s8 =	ssub.s32 $0xC00, s2  }
.Ltmp0:
0x7: {  	s3 =	sadd.s32 $0x2E00, s5;
	s7 =	sand.u32 $0x7C0, s8;
	(pc) =	sbr.rel .LBB2_1-.Ltmp0, $4  }
0x8: {  	s5 =	sadd.s32 $0x5C00, s5;
	s11 =	smov.u32 s2;
	p0 =	sne.s32 s7, $0x0  }
0x9: {  	s8 =	sshrl.u32 s8, $0xB;
	s7 =	simm.s32 $0x2;
	s9 =	simm.s32 @!p0 $0x0  }
0xa: {  	[sflag:s7] =	ssyncpa.u1 $0x0;
	p0 =	por $0x0, $0x0;
	s8 =	sadd.s32 s9, s8  }
0xb: {  	vm0 =	vmmov $0xffff;
	[sflag:s10] =	ssyncpa.u1 $0x0;
	s10 =	simm.s32 $0x0;
	s9 =	sadd.s32 $0x1, s8  }
.LBB2_4:
0xc: {  	v2 =	vnsel vm1, $0x0, v2  }
0xd: {  	vm1 =	vgt.s32 v0, $0x0;
	v2 =	vmin.u32 v2, $0x7FF  }
0xe: {  	v0 =	vnsel vm1, $0x0, v0  }
0xf: {  	v0 =	vmin.u32 v0, $0x7FF  }
0x10: {  	[tilespmem:s15], [sflag:$0x1] =	stream.indirect_vreg.gather [hbm4b:s3+s10], $0x1, v1, vm0, $0x4038;
	[tilespmem:$0x100] =	vst v63  }
0x11: {  	(ifvalue) =	ssetifvalue $0x7FFFFFFF  }
0x12: {  	[tilespmem:s16], [sflag:$0x1] =	stream.indirect_vreg.gather [hbm4b:s3+s10], $0x1, v2, vm0, $0x4038;
	[tilespmem:$0x100] =	vst v63  }
0x13: {  	s29 =	sadd.s32 $0x10, s16;
	(ifvalue) =	ssetifvalue $0x7FFFFFFF  }
0x14: {  	[tilespmem:s29], [sflag:$0x1] =	stream.indirect_vreg.gather [hbm4b:s3+s10], $0x1, v0, vm0, $0x4038;
	[tilespmem:$0x100] =	vst v63  }
0x15: {  	_ =	swait.ge [sflag:s6], $0x40  }
0x16: {  	s30 =	sshrl.u32 s13, $0x3;
	[sflag:s6] =	ssyncset.done $0x0  }
0x17: {  	s31 =	sand.u32 $0x7, s13;
	s15 =	sadd.s32 s5, s30;
	[sflag:s6] =	ssyncadd.s32 $0xFFFFFFC0  }
0x18: {  	[hbm4b:s15+s31] =	stream.linear.scatter [tilespmem:s14], [sflag:$0x3], $0x40, $0x38;
	[tilespmem:$0x100] =	vst v63  }
.LBB2_5:
0x19: {  	s15 =	sadd.s32 $0x800, s11  }
0x1a: {  	p2 =	sgt.s32 s15, $0xBFF  }
0x1b: {  	s15 =	smov.u32 @p2 s2;
	p2 =	sne.s32 s12, s9  }
.Ltmp1:
0x1c: {  	p1 =	slt.u32 s12, $0x2;
	(pc) =	sbr.rel @!p2 .LBB2_6-.Ltmp1, $4  }
0x1d: {  	s14 =	simm.s32 @!p1 $0x3  }
0x1e: {  	s16 =	sadd.s32 $0x1, s12;
	_ =	swait.ge @!p1 [sflag:s14], $0x40  }
0x1f: {  	s13 =	smov.u32 s11;
	p0 =	por !p0, !p0;
	[sflag:s14] =	ssyncset.done @!p1 $0x0  }
0x20: {  	s12 =	smov.u32 s16;
	s11 =	smov.u32 s15;
	[sflag:s14] =	ssyncadd.s32 @!p1 $0xFFFFFFC0  }
.LBB2_1:
0x21: {  	p1 =	sge.u32 s12, s8  }
0x22: {  	s14 =	sxor.u32 @!p1 $0xFFFFFFFF, s12  }
0x23: {  	s31 =	sadd.s32 $0xFFFFFFFF, s12;
	s15 =	sshrl.u32 @!p1 s11, $0x3;
	s14 =	sshll.u32 @!p1 s14, $0x6  }
0x24: {  	s16 =	sand.u32 @!p1 $0x7, s11;
	s15 =	sadd.s32 @!p1 s4, s15;
	s14 =	sand.u32 @!p1 $0x40, s14  }
0x25: {  	[tilespmem:s14], [sflag:$0x2] =	stream.linear.gather @!p1 [hbm4b:s15+s16], $0x40, $0x38;
	[tilespmem:$0x100] =	vst v63  }
0x26: {  	p1 =	sge.u32 s31, s8  }
.Ltmp2:
0x27: {  	_ = 	snop;
	(pc) =	sbr.rel @p1 .LBB2_5-.Ltmp2, $1  }
0x28: {  	_ =	sdelay $0x3  }
0x29: {  	s14 =	simm.s32 $0x1  }
0x2a: {  	_ =	swait.ge [sflag:s7], $0x40;
	s14 =	simm.s32 @!p0 $0x0  }
0x2b: {  	[sflag:s7] =	ssyncset.done $0x0;
	s14 =	sshll.u32 s14, $0x6  }
0x2c: {  	[sflag:s7] =	ssyncadd.s32 $0xFFFFFFC0;
	(ifvalue) =	ssetifvalue $0x7FFFFFFF;
	v0 =	vld.msk [tilespmem:s14+$0x0 ss:$0x1], $0xffff;
	_ =	sdelay $0x4  }
0x2d: {  	s15 =	sadd.s32 $0x10, s14;
	vm1 =	vgt.s32 v0, $0x0  }
0x2e: {  	v2 =	vld.msk [tilespmem:s15+$0x0 ss:$0x1], $0xffff;
	v1 =	vnsel vm1, $0x0, v0  }
0x2f: {  	v1 =	vmin.u32 v1, $0x7FF;
	_ =	sdelay $0x1  }
0x30: {  	s16 =	sshll.u32 s12, $0x6;
	s18 =	simm.s32 $0x20  }
0x31: {  	s16 =	sand.u32 $0x40, s16;
	s17 =	sadd.s32 $0x10, s15;
	s15 =	sor.u32 $0x80, s14  }
0x32: {  	s14 =	sor.u32 $0x80, s16;
	s16 =	sadd.s32 $0x10, s15;
	v0 =	vld.msk [tilespmem:s17+$0x0 ss:$0x1], $0xffff;
	vm1 =	vgt.s32 v2, $0x0;
	(ifvalue) =	ssetifvalue $0x7FFFFFFF  }
.LBB2_3:
0x33: {  	[tilespmem:s15], [sflag:$0x1] =	stream.indirect_vreg.gather [hbm4b:s3+s10], $0x1, v1, vm0, $0x4038;
	[tilespmem:$0x100] =	vst v63  }
0x34: {  	s18 =	sadd.s32 $0x10, s18  }
0x35: {  	v2 =	vnsel vm1, $0x0, v2;
	p1 =	slt.u32 s18, $0x30  }
.Ltmp3:
0x36: {  	s15 =	smov.u32 s16;
	v1 =	vmin.u32 v2, $0x7FF;
	(pc) =	sbr.rel @p1 .LBB2_3-.Ltmp3, $3  }
0x37: {  	_ =	sdelay $0x1  }
0x38: {  	s17 =	sadd.s32 $0x10, s17  }
0x39: {  	vm1 =	vgt.s32 v0, $0x0;
	s16 =	sadd.s32 $0x10, s16;
	v2 =	vmov v0;
	(ifvalue) =	ssetifvalue $0x7FFFFFFF;
	v0 =	vld.msk [tilespmem:s17+$0x0 ss:$0x1], $0xffff  }
.Ltmp4:
0x3a: {  	_ = 	snop;
	(pc) =	sbr.rel .LBB2_4-.Ltmp4, $1  }
0x3b: {  	_ =	sdelay $0x3  }
.LBB2_6:
0x3c: {  	_ =	sfence.sel $0x180000  }
0x3d: {  	s2 =	simm.s32 $0x2;
	[bflag:$0x0] =	sbarrier.arrive $0xFFFF  }
0x3e: {  	s30 =	simm.s32 $0x3;
	[sflag:s2] =	ssyncpa.u1 $0x1  }
0x3f: {  	s31 =	simm.s32 $0x1;
	[sflag:s30] =	ssyncpa.u1 $0x1  }
0x40: {  	[sflag:s31] =	ssyncpa.u1 $0x1  }
0x41: {  	p0 =	sne.s32 s1, $0x0;
	_ =	strace $0x90000050  }
0x42: {  	s0 =	sadd.s32 @!p0 $0x100000, s0;
	[bflag:$0x2] =	sbarrier.arrive $0xFFFF  }
0x43: {  	[sflag:s0] =	ssyncadd.tile.s32 @!p0 $0x1;
	_ =	shalt  }
.Lfunc_end2:
_tile_overlayer_lowered:
.L_overlay_start_2:
0x44: {  	(tag) =	ssettag $0x2  }
0x45: {  	s0 =	rddreg [dreg:$0x0];
	s2 =	stileid.u32  }
0x46: {  	s1 =	rddreg [dreg:$0x1];
	p0 =	sne.s32 s2, $0x0  }
0x47: {  	s3 =	rddreg [dreg:$0x2];
	[bflag:$0x3] =	sbarrier.arrive $0xFFFF;
	s2 =	simm.s32 @!p0 $0x1C01  }
0x48: {  	[timem:s3], [sflag:s2] =	dma.local @!p0 [hbm:s0], s1  }
0x49: {  	s0 =	simm.s32 @!p0 $0x1  }
0x4a: {  	_ =	swait.ge @!p0 [sflag:s0], s1  }
0x4b: {  	s1 =	ssub.s32 @!p0 $0x0, s1;
	[sflag:s0] =	ssyncset.done @!p0 $0x0  }
0x4c: {  	[sflag:s0] =	ssyncadd.s32 @!p0 s1  }
0x4d: {  	[bflag:$0x3] =	sbarrier.arrive $0xFFFF  }
0x4e: {  	_ =	shalt  }

// kernel: gather_offload_async_start
scs
__scs_entry_jumppad:
0x0: {  	(pc) =	sbr.rel $0x88, $3  }
0x1: {  	(tag) =	ssettag $0x0;
	lr =	simm.s32 $0x1  }
0x2: {  	[smem:$0x3F94] =	sst lr;
	_ =	strace $0xD0000000  }
0x3: {  	_ = 	snop  }
0x4: {  	_ = 	snop  }
0x5: {  	_ = 	snop  }
0x6: {  	_ = 	snop  }
0x7: {  	_ = 	snop  }
__scs_overlays_trampoline_lowered:
0x8: {  	[smem:$0x3FA3] =	sst s0  }
0x9: {  	[smem:$0x3FA4] =	sst s1  }
0xa: {  	[smem:$0x3FA5] =	sst s2  }
0xb: {  	[smem:$0x3FA6] =	sst s3  }
0xc: {  	[smem:$0x3FA7] =	sst s4  }
0xd: {  	[smem:$0x3FA8] =	sst s5  }
0xe: {  	[smem:$0x3FA9] =	sst s6  }
0xf: {  	[smem:$0x3FAA] =	sst s7  }
0x10: {  	[smem:$0x3FAB] =	sst s8  }
0x11: {  	[smem:$0x3FAC] =	sst s9;
	s0 =	simm.s32 @!p0 $0x0  }
0x12: {  	s1 =	sld [smem:$0x3F92];
	s0 =	simm.s32 @p0 $0x1  }
0x13: {  	[smem:$0x3FAD] =	sst s0;
	s0 =	simm.s32 @!p1 $0x0  }
0x14: {  	s2 =	sld [smem:$0x3F91];
	s0 =	simm.s32 @p1 $0x1  }
0x15: {  	[smem:$0x3FAE] =	sst s0;
	s0 =	simm.s32 @!p2 $0x0  }
0x16: {  	s3 =	sld [smem:$0x3FDB];
	s0 =	simm.s32 @p2 $0x1  }
0x17: {  	s4 =	simm.s32 $0x1BF5;
	[smem:$0x3FB0] =	sst s0  }
0x18: {  	s0 =	sld [smem:$0x3F93];
	_ =	swait.ge [sflag:s4], $0x0  }
0x19: {  	s7 =	sld [smem:$0x3F94]  }
0x1a: {  	s8 =	sadd.s32 $0xFFFFE003, lr  }
0x1b: {  	s9 =	sadd.s32 $0xFFFFFEF7, lr;
	s5 =	simm.s32 $0xFFFFFFFF;
	p2 =	slt.u32 s8, $0xFFFFF086  }
0x1c: {  	p1 =	slt.u32 s9, $0xF7A;
	s5 =	simm.s32 @!p2 $0x0  }
0x1d: {  	s5 =	simm.s32 @p1 $0x1;
	p0 =	seq.s32 s7, s2  }
0x1e: {  	s7 =	smul.u32 @!p0 $0xF7A, s2;
	p2 =	seq.s32 @!p0 s5, $0x0  }
0x1f: {  	s9 =	smul.u32 $0xF7A, s1;
	s8 =	simm.s32 @!p0 $0x1BF5;
	p2 =	por !p2, p0  }
0x20: {  	[sflag:s8] =	ssyncset.s32 @!p0 $0xFFFFF086;
	s6 =	sadd.s32 @!p0 s3, s7;
	s7 =	simm.s32 @!p0 $0x108  }
0x21: {  	s3 =	sadd.s32 s3, s9;
	s6 =	sadd.s32 @!p0 $0x88, s6;
	s7 =	simm.s32 @p2 $0x1082  }
0x22: {  	[simem:s7], [sflag:s8] =	dma.local @!p0 [hbm:s6], $0xF7A  }
0x23: {  	s9 =	sor.u32 $0xD0000000, s2;
	s6 =	simm.s32 $0x108;
	_ =	swait.ge @!p0 [sflag:s8], $0x0  }
0x24: {  	s3 =	sadd.s32 $0x88, s3;
	s6 =	simm.s32 @!p1 $0x1082;
	[sflag:s4] =	ssyncset.s32 $0xFFFFF086  }
0x25: {  	[simem:s6], [sflag:s4] =	dma.local [hbm:s3], $0xF7A  }
0x26: {  	[smem:$0x3F94] =	sst s1;
	(tag) =	ssettag s2;
	_ =	strace s9  }
0x27: {  	s1 =	sld [smem:$0x3FA4]  }
0x28: {  	s2 =	sld [smem:$0x3FA5]  }
0x29: {  	s4 =	sld [smem:$0x3FA7]  }
0x2a: {  	p0 =	seq.s32 s5, $0x0;
	s5 =	sld [smem:$0x3FA8]  }
0x2b: {  	s6 =	sld [smem:$0x3FA9]  }
0x2c: {  	s7 =	sld [smem:$0x3FAA]  }
0x2d: {  	s3 =	simm.s32 $0x108;
	s8 =	sld [smem:$0x3FAB]  }
0x2e: {  	s3 =	simm.s32 @!p0 $0x1082;
	s9 =	sld [smem:$0x3FAC]  }
0x2f: {  	lr =	sadd.s32 s0, s3;
	s0 =	sld [smem:$0x3FA3]  }
0x30: {  	s3 =	sld [smem:$0x3FA6]  }
0x31: {  	[smem:$0x3FAF] =	sst s10  }
0x32: {  	s10 =	sld [smem:$0x3FAD];
	_ =	sdelay $0x3  }
0x33: {  	p0 =	seq.s32 s10, $0x1;
	s10 =	sld [smem:$0x3FAF];
	_ =	sdelay $0x3  }
0x34: {  	[smem:$0x3FAF] =	sst s10  }
0x35: {  	s10 =	sld [smem:$0x3FAE];
	_ =	sdelay $0x3  }
0x36: {  	p1 =	seq.s32 s10, $0x1;
	s10 =	sld [smem:$0x3FAF];
	_ =	sdelay $0x3  }
0x37: {  	[smem:$0x3FAF] =	sst s10  }
0x38: {  	s10 =	sld [smem:$0x3FB0]  }
0x39: {  	_ = 	snop;
	(pc) =	sbr.ind lr, $3  }
0x3a: {  	_ = 	snop  }
0x3b: {  	_ = 	snop  }
0x3c: {  	p2 =	seq.s32 s10, $0x1;
	s10 =	sld [smem:$0x3FAF]  }
0x3d: {  	_ =	shalt  }
0x3e: {  	_ =	shalt  }
0x3f: {  	_ =	shalt  }
0x40: {  	_ =	shalt  }
0x41: {  	_ =	shalt  }
0x42: {  	_ =	shalt  }
0x43: {  	_ =	shalt  }
0x44: {  	_ =	shalt  }
0x45: {  	_ =	shalt  }
0x46: {  	_ =	shalt  }
0x47: {  	_ =	shalt  }
0x48: {  	_ =	shalt  }
0x49: {  	_ =	shalt  }
0x4a: {  	_ =	shalt  }
0x4b: {  	_ =	shalt  }
0x4c: {  	_ =	shalt  }
0x4d: {  	_ =	shalt  }
0x4e: {  	_ =	shalt  }
0x4f: {  	_ =	shalt  }
0x50: {  	_ =	shalt  }
0x51: {  	_ =	shalt  }
0x52: {  	_ =	shalt  }
0x53: {  	_ =	shalt  }
0x54: {  	_ =	shalt  }
0x55: {  	_ =	shalt  }
0x56: {  	_ =	shalt  }
0x57: {  	_ =	shalt  }
0x58: {  	_ =	shalt  }
0x59: {  	_ =	shalt  }
0x5a: {  	_ =	shalt  }
0x5b: {  	_ =	shalt  }
0x5c: {  	_ =	shalt  }
0x5d: {  	_ =	shalt  }
0x5e: {  	_ =	shalt  }
0x5f: {  	_ =	shalt  }
0x60: {  	_ =	shalt  }
0x61: {  	_ =	shalt  }
0x62: {  	_ =	shalt  }
0x63: {  	_ =	shalt  }
0x64: {  	_ =	shalt  }
0x65: {  	_ =	shalt  }
0x66: {  	_ =	shalt  }
0x67: {  	_ =	shalt  }
0x68: {  	_ =	shalt  }
0x69: {  	_ =	shalt  }
0x6a: {  	_ =	shalt  }
0x6b: {  	_ =	shalt  }
0x6c: {  	_ =	shalt  }
0x6d: {  	_ =	shalt  }
0x6e: {  	_ =	shalt  }
0x6f: {  	_ =	shalt  }
0x70: {  	_ =	shalt  }
0x71: {  	_ =	shalt  }
0x72: {  	_ =	shalt  }
0x73: {  	_ =	shalt  }
0x74: {  	_ =	shalt  }
0x75: {  	_ =	shalt  }
0x76: {  	_ =	shalt  }
0x77: {  	_ =	shalt  }
0x78: {  	_ =	shalt  }
0x79: {  	_ =	shalt  }
0x7a: {  	_ =	shalt  }
0x7b: {  	_ =	shalt  }
0x7c: {  	_ =	shalt  }
0x7d: {  	_ =	shalt  }
0x7e: {  	_ =	shalt  }
0x7f: {  	_ =	shalt  }
0x80: {  	_ =	shalt  }
0x81: {  	_ =	shalt  }
0x82: {  	_ =	shalt  }
0x83: {  	_ =	shalt  }
0x84: {  	_ =	shalt  }
0x85: {  	_ =	shalt  }
0x86: {  	_ =	shalt  }
0x87: {  	_ =	shalt  }
.Lfunc_end0:
.L_simem_size_0:
called_computation.1_lowered:
.L_overlay_start_0:
0x88: {  	s2 =	sld [smem:$0x3FD9]  }
0x89: {  	s3 =	sld [smem:$0x3FFE];
	_ =	sdelay $0x1  }
0x8a: {  	s1 =	srdreg.scid  }
0x8b: {  	s0 =	sand.u32 $0x1, s1  }
0x8c: {  	s16 =	sshll.u32 s0, $0xA;
	s2 =	sadd.s32 s3, s2  }
0x8d: {  	s2 =	sadd.s32 s2, s16  }
0x8e: {  	[smem:$0x3FBB] =	sst s2  }
0x8f: {  	_ = 	snop  }
0x90: {  	(tm) =	ssettm $0x1  }
0x91: {  	s17 =	sld [smem:$0x3FFB];
	_ =	sdelay $0x3  }
0x92: {  	_ =	strace s17  }
0x93: {  	s2 =	sld [smem:$0x3FFC];
	_ =	sdelay $0x3  }
0x94: {  	_ =	strace s2  }
0x95: {  	s2 =	sld [smem:$0x3FFD];
	_ =	sdelay $0x3  }
0x96: {  	_ =	strace s2  }
0x97: {  	_ =	strace $0x8FFFFFFF  }
0x98: {  	s18 =	sld [smem:$0x3FDB];
	_ =	sdelay $0x1  }
0x99: {  	s19 =	simm.s32 $_scs_section_size  }
0x9a: {  	s4 =	simm.s32 $_size__tile_overlayer_lowered;
	s5 =	simm.s32 $_tile_overlayer_lowered  }
0x9b: {  	s22 =	simm.s32 $0x1BFF;
	s21 =	sshll.u32 s5, $0x1;
	s2 =	sadd.s32 s19, s18  }
0x9c: {  	s6 =	simm.s32 $0x0;
	s20 =	sshll.u32 s4, $0x1;
	s4 =	sadd.s32 s21, s2  }
0x9d: {  	[timem:s6], [sflag:s22] =	dma.local [hbm:s4], s20  }
0x9e: {  	_ =	swait.ge [sflag:s22], s20  }
0x9f: {  	s3 =	ssub.s32 $0x0, s20;
	[sflag:s22] =	ssyncset.done $0x0  }
0xa0: {  	[sflag:s22] =	ssyncadd.s32 s3;
	_ =	sdelay $0x1  }
0xa1: {  	s23 =	simm.s32 $0x1B8B  }
0xa2: {  	_ =	swait.ge [sflag:s23], $0x1  }
0xa3: {  	[sflag:s23] =	ssyncset.done $0x0  }
0xa4: {  	s25 =	simm.s32 $0x1B8E;
	s24 =	sld [smem:$0x3FFE];
	[sflag:s23] =	ssyncadd.s32 $0xFFFFFFFF  }
0xa5: {  	s26 =	simm.s32 $execute0_lowered;
	[smem:$0x3FD2] =	sst s25  }
0xa6: {  	s4 =	sshll.u32 s26, $0x1;
	_ =	strace $0x8000004C;
	[dreg:$0x1] =	wrdreg $0xFFFFFFFF  }
0xa7: {  	s28 =	simm.s32 $_size_execute0_lowered;
	s2 =	sadd.s32 s2, s4;
	[dreg:$0x0] =	wrdreg $0x0  }
0xa8: {  	s4 =	sshll.u32 s28, $0x1;
	[dreg:$0x2] =	wrdreg s2  }
0xa9: {  	[dreg:$0x3] =	wrdreg s4  }
0xaa: {  	[dreg:$0x4] =	wrdreg $0xC0  }
0xab: {  	_ =	task [dreg:s6], $0x5FFFF  }
0xac: {  	[dreg:$0x1] =	wrdreg $0xFFFFFFFF  }
0xad: {  	[dreg:$0x0] =	wrdreg $0x60  }
0xae: {  	[dreg:$0x2] =	wrdreg s24  }
0xaf: {  	[dreg:$0x3] =	wrdreg $0x9  }
0xb0: {  	_ =	task.clear_ibuf [dreg:s6], $0x4FFFF;
	_ =	strace $0x9000004C  }
0xb1: {  	s29 =	simm.s32 $0x9;
	_ =	strace $0x8000004E  }
0xb2: {  	_ =	swait.ge [sflag:s29], $0x1  }
0xb3: {  	[sflag:s29] =	ssyncadd.s32 $0xFFFFFFFF  }
0xb4: {  	_ =	strace $0x9000004E  }
0xb5: {  	_ =	sfence  }
0xb6: {  	s30 =	sld [smem:$0x0];
	_ =	sdelay $0x2  }
0xb7: {  	s31 =	sshll.u32 s1, $0xD;
	s1 =	sshrl.u32 s1, $0x2  }
0xb8: {  	s3 =	sand.u32 $0x4000, s31;
	s1 =	sadd.s32 s1, s30  }
0xb9: {  	s0 =	sor.u32 s3, s0;
	s1 =	sshll.u32 s1, $0x11  }
0xba: {  	s0 =	sor.u32 s1, s0  }
0xbb: {  	s0 =	sadd.s32 $0x8F2B, s0  }
0xbc: {  	[sflag:s0] =	ssyncadd.remote.s32 $0x1  }
0xbd: {  	_ =	sfence.sel $0xFFFF  }
0xbe: {  	[dreg:$0x0] =	wrdreg $0xFFFFFFFF;
	(pc) =	sbr.abs _section_cstart, $3  }
0xbf: {  	[dreg:$0x1] =	wrdreg $0xFFFFFFFF  }
0xc0: {  	_ =	task.clear_ibuf [dreg:s6], $0x2FFFF;
	_ =	strace $0x9FFFFFFF  }
0xc1: {  	(tm) =	ssettm $0x7FFFFFFF  }
tec
execute0_lowered:
.L_overlay_start_1:
0x0: {  	(tag) =	ssettag $0x1  }
0x1: {  	s1 =	srdreg.scid;
	s0 =	stileid.u32  }
0x2: {  	s6 =	rddreg [dreg:$0x0];
	s7 =	simm.s32 $0x1;
	s1 =	sshll.u32 s1, $0x5  }
0x3: {  	s30 =	simm.s32 $0x2;
	s2 =	sshll.u32 s0, $0x6;
	s3 =	sand.u32 $0x20, s1  }
0x4: {  	s31 =	simm.s32 $0x3;
	s11 =	simm.s32 $0x0;
	s2 =	sor.u32 s2, s3  }
0x5: {  	s9 =	simm.s32 $0x0;
	s4 =	sadd.s32 $0x3C00, s6;
	s5 =	ssub.s32 $0x800, s2  }
0x6: {  	s1 =	rddreg [dreg:$0x1];
	_ =	strace $0x8000004D;
	s8 =	sand.u32 $0x3E0, s5  }
0x7: {  	s3 =	sadd.s32 $0x3000, s6;
	[sflag:s7] =	ssyncpa.u1 $0x0;
	p0 =	sne.s32 s8, $0x0  }
0x8: {  	s6 =	sadd.s32 $0x3600, s6;
	s5 =	sshrl.u32 s5, $0xA;
	s7 =	simm.s32 @!p0 $0x0  }
0x9: {  	[sflag:s30] =	ssyncpa.u1 $0x0;
	s10 =	smov.u32 s2;
	s5 =	sadd.s32 s7, s5  }
0xa: {  	[sflag:s31] =	ssyncpa.u1 $0x0;
	s8 =	simm.s32 $0x0;
	s7 =	sadd.s32 $0x1, s5  }
.LBB2_1:
0xb: {  	p0 =	sge.u32 s9, s5  }
0xc: {  	s31 =	sadd.s32 $0xFFFFFFFF, s9;
	s12 =	sxor.u32 @!p0 $0xFFFFFFFF, s8;
	s13 =	sshrl.u32 @!p0 s10, $0x3  }
0xd: {  	s14 =	sand.u32 @!p0 $0x7, s10;
	s12 =	sand.u32 @!p0 $0x20, s12;
	s13 =	sadd.s32 @!p0 s4, s13  }
0xe: {  	[tilespmem:s12], [sflag:$0x2] =	stream.linear.gather @!p0 [hbm4b:s13+s14], $0x20, $0x38;
	[tilespmem:$0x80] =	vst v63  }
0xf: {  	p0 =	sge.u32 s31, s5  }
0x10: {  	s12 =	simm.s32 @!p0 $0x2  }
0x11: {  	_ =	swait.ge @!p0 [sflag:s12], $0x20  }
0x12: {  	[sflag:s12] =	ssyncset.done @!p0 $0x0  }
0x13: {  	[sflag:s12] =	ssyncadd.s32 @!p0 $0xFFFFFFE0;
	s12 =	sand.u32 @!p0 $0x20, s8  }
0x14: {  	(ifvalue) =	ssetifvalue @!p0 $0x7FFFFFFF;
	v0 =	vld.msk @!p0 [tilespmem:s12+$0x0 ss:$0x1], $0xffff;
	_ =	sdelay $0x4  }
0x15: {  	vm0 =	vgt.s32 @!p0 v0, $0x0  }
0x16: {  	v0 =	vnsel @!p0 vm0, $0x0, v0  }
0x17: {  	v0 =	vmin.u32 @!p0 v0, $0x7FF;
	_ =	sdelay $0x2  }
0x18: {  	s14 =	simm.s32 @!p0 $0x0  }
0x19: {  	s13 =	sor.u32 @!p0 $0x40, s12;
	(ifvalue) =	ssetifvalue @!p0 $0x7FFFFFFF;
	s15 =	sor.u32 @!p0 $0x10, s12;
	vm0 =	vmmov @!p0 $0xffff  }
0x1a: {  	[tilespmem:s13], [sflag:$0x1] =	stream.indirect_vreg.gather @!p0 [hbm4b:s3+s14], $0x1, v0, vm0, $0x4038;
	[tilespmem:$0x80] =	vst v63  }
0x1b: {  	v0 =	vld.msk @!p0 [tilespmem:s15+$0x0 ss:$0x1], $0xffff;
	_ =	sdelay $0x4  }
0x1c: {  	vm1 =	vgt.s32 @!p0 v0, $0x0  }
0x1d: {  	v0 =	vnsel @!p0 vm1, $0x0, v0  }
0x1e: {  	v0 =	vmin.u32 @!p0 v0, $0x7FF;
	_ =	sdelay $0x3  }
0x1f: {  	s12 =	sor.u32 @!p0 $0x50, s12;
	(ifvalue) =	ssetifvalue @!p0 $0x7FFFFFFF  }
0x20: {  	[tilespmem:s12], [sflag:$0x1] =	stream.indirect_vreg.gather @!p0 [hbm4b:s3+s14], $0x1, v0, vm0, $0x4038;
	[tilespmem:$0x80] =	vst v63  }
0x21: {  	s12 =	simm.s32 @!p0 $0x1  }
0x22: {  	_ =	swait.ge @!p0 [sflag:s12], $0x20  }
0x23: {  	s14 =	sshrl.u32 @!p0 s11, $0x3;
	[sflag:s12] =	ssyncset.done @!p0 $0x0  }
0x24: {  	s11 =	sand.u32 @!p0 $0x7, s11;
	[sflag:s12] =	ssyncadd.s32 @!p0 $0xFFFFFFE0;
	s12 =	sadd.s32 @!p0 s6, s14  }
0x25: {  	[hbm4b:s12+s11] =	stream.linear.scatter @!p0 [tilespmem:s13], [sflag:$0x3], $0x20, $0x38;
	[tilespmem:$0x80] =	vst v63  }
0x26: {  	s13 =	sadd.s32 $0x400, s10  }
0x27: {  	p1 =	sgt.s32 s13, $0x7FF  }
0x28: {  	s13 =	smov.u32 @p1 s2;
	p1 =	sne.s32 s9, s7  }
.Ltmp0:
0x29: {  	p0 =	slt.u32 s9, $0x2;
	(pc) =	sbr.rel @p1 .LBB2_1-.Ltmp0, $4  }
0x2a: {  	s12 =	simm.s32 @!p0 $0x3  }
0x2b: {  	_ =	swait.ge @!p0 [sflag:s12], $0x20  }
0x2c: {  	s8 =	sadd.s32 $0x20, s8;
	s11 =	smov.u32 s10;
	[sflag:s12] =	ssyncset.done @!p0 $0x0  }
0x2d: {  	s9 =	sadd.s32 $0x1, s9;
	s10 =	smov.u32 s13;
	[sflag:s12] =	ssyncadd.s32 @!p0 $0xFFFFFFE0  }
0x2e: {  	_ =	sfence.sel $0x180000  }
0x2f: {  	s2 =	simm.s32 $0x2;
	[bflag:$0x0] =	sbarrier.arrive $0xFFFF  }
0x30: {  	s30 =	simm.s32 $0x3;
	[sflag:s2] =	ssyncpa.u1 $0x1  }
0x31: {  	s31 =	simm.s32 $0x1;
	[sflag:s30] =	ssyncpa.u1 $0x1  }
0x32: {  	[sflag:s31] =	ssyncpa.u1 $0x1  }
0x33: {  	p0 =	sne.s32 s0, $0x0;
	_ =	strace $0x9000004D  }
0x34: {  	s0 =	sadd.s32 @!p0 $0x100000, s1;
	[bflag:$0x2] =	sbarrier.arrive $0xFFFF  }
0x35: {  	[sflag:s0] =	ssyncadd.tile.s32 @!p0 $0x1;
	_ =	shalt  }
.Lfunc_end2:
_tile_overlayer_lowered:
.L_overlay_start_2:
0x36: {  	(tag) =	ssettag $0x2  }
0x37: {  	s0 =	rddreg [dreg:$0x0];
	s2 =	stileid.u32  }
0x38: {  	s1 =	rddreg [dreg:$0x1];
	p0 =	sne.s32 s2, $0x0  }
0x39: {  	s3 =	rddreg [dreg:$0x2];
	[bflag:$0x3] =	sbarrier.arrive $0xFFFF;
	s2 =	simm.s32 @!p0 $0x1C01  }
0x3a: {  	[timem:s3], [sflag:s2] =	dma.local @!p0 [hbm:s0], s1  }
0x3b: {  	s0 =	simm.s32 @!p0 $0x1  }
0x3c: {  	_ =	swait.ge @!p0 [sflag:s0], s1  }
0x3d: {  	s1 =	ssub.s32 @!p0 $0x0, s1;
	[sflag:s0] =	ssyncset.done @!p0 $0x0  }
0x3e: {  	[sflag:s0] =	ssyncadd.s32 @!p0 s1  }
0x3f: {  	[bflag:$0x3] =	sbarrier.arrive $0xFFFF  }
0x40: {  	_ =	shalt  }

// kernel: kernel.11.cloned.1.call-start
scs
__scs_entry_jumppad:
0x0: {  	(pc) =	sbr.rel $0x88, $3  }
0x1: {  	(tag) =	ssettag $0x0;
	lr =	simm.s32 $0x1  }
0x2: {  	[smem:$0x3F94] =	sst lr;
	_ =	strace $0xD0000000  }
0x3: {  	_ = 	snop  }
0x4: {  	_ = 	snop  }
0x5: {  	_ = 	snop  }
0x6: {  	_ = 	snop  }
0x7: {  	_ = 	snop  }
__scs_overlays_trampoline_lowered:
0x8: {  	[smem:$0x3FA3] =	sst s0  }
0x9: {  	[smem:$0x3FA4] =	sst s1  }
0xa: {  	[smem:$0x3FA5] =	sst s2  }
0xb: {  	[smem:$0x3FA6] =	sst s3  }
0xc: {  	[smem:$0x3FA7] =	sst s4  }
0xd: {  	[smem:$0x3FA8] =	sst s5  }
0xe: {  	[smem:$0x3FA9] =	sst s6  }
0xf: {  	[smem:$0x3FAA] =	sst s7  }
0x10: {  	[smem:$0x3FAB] =	sst s8  }
0x11: {  	[smem:$0x3FAC] =	sst s9;
	s0 =	simm.s32 @!p0 $0x0  }
0x12: {  	s1 =	sld [smem:$0x3F92];
	s0 =	simm.s32 @p0 $0x1  }
0x13: {  	[smem:$0x3FAD] =	sst s0;
	s0 =	simm.s32 @!p1 $0x0  }
0x14: {  	s2 =	sld [smem:$0x3F91];
	s0 =	simm.s32 @p1 $0x1  }
0x15: {  	[smem:$0x3FAE] =	sst s0;
	s0 =	simm.s32 @!p2 $0x0  }
0x16: {  	s3 =	sld [smem:$0x3FDB];
	s0 =	simm.s32 @p2 $0x1  }
0x17: {  	s4 =	simm.s32 $0x1BF5;
	[smem:$0x3FB0] =	sst s0  }
0x18: {  	s0 =	sld [smem:$0x3F93];
	_ =	swait.ge [sflag:s4], $0x0  }
0x19: {  	s7 =	sld [smem:$0x3F94]  }
0x1a: {  	s8 =	sadd.s32 $0xFFFFE003, lr  }
0x1b: {  	s9 =	sadd.s32 $0xFFFFFEF7, lr;
	s5 =	simm.s32 $0xFFFFFFFF;
	p2 =	slt.u32 s8, $0xFFFFF086  }
0x1c: {  	p1 =	slt.u32 s9, $0xF7A;
	s5 =	simm.s32 @!p2 $0x0  }
0x1d: {  	s5 =	simm.s32 @p1 $0x1;
	p0 =	seq.s32 s7, s2  }
0x1e: {  	s7 =	smul.u32 @!p0 $0xF7A, s2;
	p2 =	seq.s32 @!p0 s5, $0x0  }
0x1f: {  	s9 =	smul.u32 $0xF7A, s1;
	s8 =	simm.s32 @!p0 $0x1BF5;
	p2 =	por !p2, p0  }
0x20: {  	[sflag:s8] =	ssyncset.s32 @!p0 $0xFFFFF086;
	s6 =	sadd.s32 @!p0 s3, s7;
	s7 =	simm.s32 @!p0 $0x108  }
0x21: {  	s3 =	sadd.s32 s3, s9;
	s6 =	sadd.s32 @!p0 $0x88, s6;
	s7 =	simm.s32 @p2 $0x1082  }
0x22: {  	[simem:s7], [sflag:s8] =	dma.local @!p0 [hbm:s6], $0xF7A  }
0x23: {  	s9 =	sor.u32 $0xD0000000, s2;
	s6 =	simm.s32 $0x108;
	_ =	swait.ge @!p0 [sflag:s8], $0x0  }
0x24: {  	s3 =	sadd.s32 $0x88, s3;
	s6 =	simm.s32 @!p1 $0x1082;
	[sflag:s4] =	ssyncset.s32 $0xFFFFF086  }
0x25: {  	[simem:s6], [sflag:s4] =	dma.local [hbm:s3], $0xF7A  }
0x26: {  	[smem:$0x3F94] =	sst s1;
	(tag) =	ssettag s2;
	_ =	strace s9  }
0x27: {  	s1 =	sld [smem:$0x3FA4]  }
0x28: {  	s2 =	sld [smem:$0x3FA5]  }
0x29: {  	s4 =	sld [smem:$0x3FA7]  }
0x2a: {  	p0 =	seq.s32 s5, $0x0;
	s5 =	sld [smem:$0x3FA8]  }
0x2b: {  	s6 =	sld [smem:$0x3FA9]  }
0x2c: {  	s7 =	sld [smem:$0x3FAA]  }
0x2d: {  	s3 =	simm.s32 $0x108;
	s8 =	sld [smem:$0x3FAB]  }
0x2e: {  	s3 =	simm.s32 @!p0 $0x1082;
	s9 =	sld [smem:$0x3FAC]  }
0x2f: {  	lr =	sadd.s32 s0, s3;
	s0 =	sld [smem:$0x3FA3]  }
0x30: {  	s3 =	sld [smem:$0x3FA6]  }
0x31: {  	[smem:$0x3FAF] =	sst s10  }
0x32: {  	s10 =	sld [smem:$0x3FAD];
	_ =	sdelay $0x3  }
0x33: {  	p0 =	seq.s32 s10, $0x1;
	s10 =	sld [smem:$0x3FAF];
	_ =	sdelay $0x3  }
0x34: {  	[smem:$0x3FAF] =	sst s10  }
0x35: {  	s10 =	sld [smem:$0x3FAE];
	_ =	sdelay $0x3  }
0x36: {  	p1 =	seq.s32 s10, $0x1;
	s10 =	sld [smem:$0x3FAF];
	_ =	sdelay $0x3  }
0x37: {  	[smem:$0x3FAF] =	sst s10  }
0x38: {  	s10 =	sld [smem:$0x3FB0]  }
0x39: {  	_ = 	snop;
	(pc) =	sbr.ind lr, $3  }
0x3a: {  	_ = 	snop  }
0x3b: {  	_ = 	snop  }
0x3c: {  	p2 =	seq.s32 s10, $0x1;
	s10 =	sld [smem:$0x3FAF]  }
0x3d: {  	_ =	shalt  }
0x3e: {  	_ =	shalt  }
0x3f: {  	_ =	shalt  }
0x40: {  	_ =	shalt  }
0x41: {  	_ =	shalt  }
0x42: {  	_ =	shalt  }
0x43: {  	_ =	shalt  }
0x44: {  	_ =	shalt  }
0x45: {  	_ =	shalt  }
0x46: {  	_ =	shalt  }
0x47: {  	_ =	shalt  }
0x48: {  	_ =	shalt  }
0x49: {  	_ =	shalt  }
0x4a: {  	_ =	shalt  }
0x4b: {  	_ =	shalt  }
0x4c: {  	_ =	shalt  }
0x4d: {  	_ =	shalt  }
0x4e: {  	_ =	shalt  }
0x4f: {  	_ =	shalt  }
0x50: {  	_ =	shalt  }
0x51: {  	_ =	shalt  }
0x52: {  	_ =	shalt  }
0x53: {  	_ =	shalt  }
0x54: {  	_ =	shalt  }
0x55: {  	_ =	shalt  }
0x56: {  	_ =	shalt  }
0x57: {  	_ =	shalt  }
0x58: {  	_ =	shalt  }
0x59: {  	_ =	shalt  }
0x5a: {  	_ =	shalt  }
0x5b: {  	_ =	shalt  }
0x5c: {  	_ =	shalt  }
0x5d: {  	_ =	shalt  }
0x5e: {  	_ =	shalt  }
0x5f: {  	_ =	shalt  }
0x60: {  	_ =	shalt  }
0x61: {  	_ =	shalt  }
0x62: {  	_ =	shalt  }
0x63: {  	_ =	shalt  }
0x64: {  	_ =	shalt  }
0x65: {  	_ =	shalt  }
0x66: {  	_ =	shalt  }
0x67: {  	_ =	shalt  }
0x68: {  	_ =	shalt  }
0x69: {  	_ =	shalt  }
0x6a: {  	_ =	shalt  }
0x6b: {  	_ =	shalt  }
0x6c: {  	_ =	shalt  }
0x6d: {  	_ =	shalt  }
0x6e: {  	_ =	shalt  }
0x6f: {  	_ =	shalt  }
0x70: {  	_ =	shalt  }
0x71: {  	_ =	shalt  }
0x72: {  	_ =	shalt  }
0x73: {  	_ =	shalt  }
0x74: {  	_ =	shalt  }
0x75: {  	_ =	shalt  }
0x76: {  	_ =	shalt  }
0x77: {  	_ =	shalt  }
0x78: {  	_ =	shalt  }
0x79: {  	_ =	shalt  }
0x7a: {  	_ =	shalt  }
0x7b: {  	_ =	shalt  }
0x7c: {  	_ =	shalt  }
0x7d: {  	_ =	shalt  }
0x7e: {  	_ =	shalt  }
0x7f: {  	_ =	shalt  }
0x80: {  	_ =	shalt  }
0x81: {  	_ =	shalt  }
0x82: {  	_ =	shalt  }
0x83: {  	_ =	shalt  }
0x84: {  	_ =	shalt  }
0x85: {  	_ =	shalt  }
0x86: {  	_ =	shalt  }
0x87: {  	_ =	shalt  }
.Lfunc_end0:
.L_simem_size_0:
called_computation.5_lowered:
.L_overlay_start_0:
0x88: {  	s2 =	sld [smem:$0x3FD9]  }
0x89: {  	s3 =	sld [smem:$0x3FFE];
	_ =	sdelay $0x1  }
0x8a: {  	s1 =	srdreg.scid  }
0x8b: {  	s0 =	sand.u32 $0x1, s1  }
0x8c: {  	s17 =	sshll.u32 s0, $0xA;
	s2 =	sadd.s32 s3, s2  }
0x8d: {  	s2 =	sadd.s32 s2, s17  }
0x8e: {  	[smem:$0x3FBB] =	sst s2  }
0x8f: {  	_ = 	snop  }
0x90: {  	s2 =	sld [smem:$0x3FD0];
	(tm) =	ssettm $0x1  }
0x91: {  	s18 =	sld [smem:$0x3FFB];
	_ =	sdelay $0x3  }
0x92: {  	_ =	strace s18  }
0x93: {  	s3 =	sld [smem:$0x3FFC];
	_ =	sdelay $0x3  }
0x94: {  	_ =	strace s3  }
0x95: {  	s3 =	sld [smem:$0x3FFD];
	_ =	sdelay $0x3  }
0x96: {  	_ =	strace s3  }
0x97: {  	_ =	strace $0x8FFFFFFF  }
0x98: {  	s19 =	sld [smem:$0x3FDB];
	_ =	sdelay $0x1  }
0x99: {  	s4 =	simm.s32 $_scs_section_size  }
0x9a: {  	s5 =	simm.s32 $_size__tile_overlayer_lowered;
	s6 =	simm.s32 $_tile_overlayer_lowered  }
0x9b: {  	s22 =	simm.s32 $0x1BFF;
	s21 =	sshll.u32 s6, $0x1;
	s3 =	sadd.s32 s4, s19  }
0x9c: {  	s7 =	simm.s32 $0x0;
	s20 =	sshll.u32 s5, $0x1;
	s5 =	sadd.s32 s21, s3  }
0x9d: {  	[timem:s7], [sflag:s22] =	dma.local [hbm:s5], s20  }
0x9e: {  	_ =	swait.ge [sflag:s22], s20  }
0x9f: {  	s4 =	ssub.s32 $0x0, s20;
	[sflag:s22] =	ssyncset.done $0x0  }
0xa0: {  	[sflag:s22] =	ssyncadd.s32 s4;
	_ =	sdelay $0x1  }
0xa1: {  	s23 =	simm.s32 $0x1B8B  }
0xa2: {  	_ =	swait.ge [sflag:s23], $0x1  }
0xa3: {  	[sflag:s23] =	ssyncset.done $0x0  }
0xa4: {  	s25 =	simm.s32 $0x1B8E;
	s24 =	sld [smem:$0x3FFE];
	[sflag:s23] =	ssyncadd.s32 $0xFFFFFFFF  }
0xa5: {  	s26 =	simm.s32 $execute0_lowered;
	[smem:$0x3FD2] =	sst s25  }
0xa6: {  	s5 =	sshll.u32 s26, $0x1;
	_ =	strace $0x80000055;
	[dreg:$0x1] =	wrdreg $0xFFFFFFFF  }
0xa7: {  	s28 =	simm.s32 $_size_execute0_lowered;
	s3 =	sadd.s32 s3, s5;
	[dreg:$0x0] =	wrdreg $0x0  }
0xa8: {  	s5 =	sshll.u32 s28, $0x1;
	[dreg:$0x2] =	wrdreg s3  }
0xa9: {  	[dreg:$0x3] =	wrdreg s5  }
0xaa: {  	[dreg:$0x4] =	wrdreg $0xC0  }
0xab: {  	_ =	task [dreg:s7], $0x5FFFF  }
0xac: {  	[dreg:$0x1] =	wrdreg $0xFFFFFFFF  }
0xad: {  	[dreg:$0x0] =	wrdreg $0x60  }
0xae: {  	[dreg:$0x2] =	wrdreg s24  }
0xaf: {  	[dreg:$0x3] =	wrdreg s2  }
0xb0: {  	[dreg:$0x4] =	wrdreg $0x9  }
0xb1: {  	_ =	task.clear_ibuf [dreg:s7], $0x5FFFF;
	_ =	strace $0x90000055  }
0xb2: {  	s29 =	simm.s32 $0x9;
	_ =	strace $0x80000057  }
0xb3: {  	_ =	swait.ge [sflag:s29], $0x1  }
0xb4: {  	[sflag:s29] =	ssyncadd.s32 $0xFFFFFFFF  }
0xb5: {  	_ =	strace $0x90000057  }
0xb6: {  	_ =	sfence  }
0xb7: {  	s30 =	sld [smem:$0x0];
	_ =	sdelay $0x2  }
0xb8: {  	s31 =	sshll.u32 s1, $0xD;
	s1 =	sshrl.u32 s1, $0x2  }
0xb9: {  	s3 =	sand.u32 $0x4000, s31;
	s1 =	sadd.s32 s1, s30  }
0xba: {  	s0 =	sor.u32 s3, s0;
	s1 =	sshll.u32 s1, $0x11  }
0xbb: {  	s0 =	sor.u32 s1, s0  }
0xbc: {  	s0 =	sadd.s32 $0x8F2B, s0  }
0xbd: {  	[sflag:s0] =	ssyncadd.remote.s32 $0x1  }
0xbe: {  	_ =	sfence.sel $0xFFFF  }
0xbf: {  	[dreg:$0x0] =	wrdreg $0xFFFFFFFF;
	(pc) =	sbr.abs _section_cstart, $3  }
0xc0: {  	[dreg:$0x1] =	wrdreg $0xFFFFFFFF  }
0xc1: {  	_ =	task.clear_ibuf [dreg:s7], $0x2FFFF;
	_ =	strace $0x9FFFFFFF  }
0xc2: {  	(tm) =	ssettm $0x7FFFFFFF  }
0xc3: {  	_ =	shalt  }
tec
execute0_lowered:
.L_overlay_start_1:
0x0: {  	(tag) =	ssettag $0x1  }
0x1: {  	s1 =	srdreg.scid  }
0x2: {  	s0 =	stileid.u32;
	s6 =	rddreg [dreg:$0x0]  }
0x3: {  	s4 =	rddreg [dreg:$0x1];
	s18 =	simm.s32 $0x880;
	s19 =	simm.s32 $0x1080  }
0x4: {  	s20 =	simm.s32 $0x1880;
	s22 =	simm.s32 $0x2080;
	s23 =	simm.s32 $0x2880  }
0x5: {  	s7 =	simm.s32 $0x3080;
	s24 =	simm.s32 $0x3880;
	s8 =	simm.s32 $0x4080  }
0x6: {  	s25 =	simm.s32 $0x4880;
	s26 =	simm.s32 $0x5080;
	s1 =	sand.u32 $0x1, s1  }
0x7: {  	s9 =	simm.s32 $0x80;
	s2 =	sshll.u32 s0, $0x7;
	s3 =	sshll.u32 s1, $0x6  }
0x8: {  	s11 =	simm.s32 $0x6080;
	s3 =	sor.u32 s3, s2;
	s2 =	simm.s32 $0x0  }
0x9: {  	s12 =	simm.s32 $0x6880;
	s13 =	simm.s32 $0x7080;
	[smem:$0x7FF] =	sst s2  }
0xa: {  	s14 =	simm.s32 $0x7880;
	_ =	strace $0x80000056;
	[dreg:$0x5] =	wrdreg s18  }
0xb: {  	s15 =	simm.s32 $0x8080;
	s16 =	simm.s32 $0x8880;
	[dreg:$0x6] =	wrdreg s19  }
0xc: {  	s17 =	simm.s32 $0x9080;
	s28 =	simm.s32 $0xE080;
	[dreg:$0x7] =	wrdreg s20  }
0xd: {  	s29 =	simm.s32 $0xE880;
	s30 =	simm.s32 $0xF080;
	[dreg:$0x8] =	wrdreg s22  }
0xe: {  	s31 =	simm.s32 $0xF880;
	s1 =	ssub.s32 $0x2, s1;
	[dreg:$0x9] =	wrdreg s23  }
0xf: {  	s21 =	sshrl.u32 s1, $0x1;
	s5 =	sshrl.u32 s3, $0x3;
	[dreg:$0xa] =	wrdreg s7  }
0x10: {  	s3 =	sshll.u32 s3, $0x7;
	s1 =	ssub.s32 s1, s21;
	[dreg:$0xb] =	wrdreg s24  }
0x11: {  	s21 =	simm.s32 $0xB080;
	s5 =	sadd.s32 s5, s6;
	[dreg:$0xc] =	wrdreg s8  }
0x12: {  	s3 =	sadd.s32 s4, s3;
	s4 =	sadd.s32 $0x3300, s6;
	[dreg:$0xd] =	wrdreg s25  }
0x13: {  	s7 =	smax.u32 s1, $0x1;
	s8 =	simm.s32 $0x2;
	[dreg:$0xe] =	wrdreg s26  }
0x14: {  	s18 =	simm.s32 $0x9880;
	s19 =	simm.s32 $0xA080;
	s20 =	simm.s32 $0xA880  }
0x15: {  	s22 =	simm.s32 $0xB880;
	s23 =	simm.s32 $0xC080;
	s24 =	simm.s32 $0xC880  }
0x16: {  	v2 =	vlaneseq.u32;
	s25 =	simm.s32 $0xD080;
	s26 =	simm.s32 $0xD880;
	s1 =	simm.s32 $0x1  }
0x17: {  	vm0 =	vmmov $0xffff;
	v1 =	vshrl.u32 v2, $0x3;
	s5 =	sadd.s32 $0x3000, s5;
	[dreg:$0x4] =	wrdreg s3;
	s3 =	sadd.s32 $0x3200, s6  }
0x18: {  	v0 =	vand.u32 $0x7, v2;
	v2 =	vor.u32 $0x8, v2;
	v1 =	vmul.u32 $0x8, v1;
	[dreg:$0x3] =	wrdreg s5;
	s5 =	sadd.s32 $0x3400, s6;
	s6 =	sadd.s32 $0x3500, s6  }
.LBB2_1:
0x19: {  	s0 =	rddreg [dreg:$0x3]  }
0x1a: {  	[tilespmem:s2], [sflag:$0x2] =	stream.linear.gather [hbm4b:s0+s2], $0x40, $0x38;
	[tilespmem:$0x10080] =	vst v63  }
0x1b: {  	_ =	swait.ge [sflag:s8], $0x40  }
0x1c: {  	[sflag:s8] =	ssyncset.done $0x0  }
0x1d: {  	[sflag:s8] =	ssyncadd.s32 $0xFFFFFFC0  }
0x1e: {  	v3 =	vld [tilespmem:$0x0];
	_ =	sdelay $0x4  }
0x1f: {  	v4 =	vshll.u32 v3, $0x3  }
0x20: {  	v3 =	vand.u32 $0x7, v3;
	v4 =	vand.u32 $0xFFFFFFC0, v4  }
0x21: {  	v3 =	vor.u32 v3, v4  }
0x22: {  	v4 =	vperm.xlane v3, v0;
	_ =	sdelay $0x1  }
0x23: {  	v4 =	vadd.s32 v1, v4;
	_ =	sdelay $0x4  }
0x24: {  	[tilespmem:s9], [sflag:$0x1] =	stream.indirect_vreg.gather [hbm4b:s3+s2], $0x80, v4, vm0, $0xb8;
	[tilespmem:$0x10080] =	vst v63  }
0x25: {  	s0 =	rddreg [dreg:$0x5];
	v3 =	vperm.xlane v3, v2  }
0x26: {  	[tilespmem:s0], [sflag:$0x1] =	stream.indirect_vreg.gather [hbm4b:s4+s2], $0x80, v4, vm0, $0xb8;
	[tilespmem:$0x10080] =	vst v63  }
0x27: {  	s10 =	rddreg [dreg:$0x6];
	v3 =	vadd.s32 v1, v3  }
0x28: {  	[tilespmem:s10], [sflag:$0x1] =	stream.indirect_vreg.gather [hbm4b:s5+s2], $0x80, v4, vm0, $0xb8;
	[tilespmem:$0x10080] =	vst v63  }
0x29: {  	s0 =	rddreg [dreg:$0x7]  }
0x2a: {  	[tilespmem:s0], [sflag:$0x1] =	stream.indirect_vreg.gather [hbm4b:s6+s2], $0x80, v4, vm0, $0xb8;
	[tilespmem:$0x10080] =	vst v63  }
0x2b: {  	s10 =	rddreg [dreg:$0x8]  }
0x2c: {  	[tilespmem:s10], [sflag:$0x1] =	stream.indirect_vreg.gather [hbm4b:s3+s2], $0x80, v3, vm0, $0xb8;
	[tilespmem:$0x10080] =	vst v63  }
0x2d: {  	s0 =	rddreg [dreg:$0x9]  }
0x2e: {  	[tilespmem:s0], [sflag:$0x1] =	stream.indirect_vreg.gather [hbm4b:s4+s2], $0x80, v3, vm0, $0xb8;
	[tilespmem:$0x10080] =	vst v63  }
0x2f: {  	s10 =	rddreg [dreg:$0xa]  }
0x30: {  	[tilespmem:s10], [sflag:$0x1] =	stream.indirect_vreg.gather [hbm4b:s5+s2], $0x80, v3, vm0, $0xb8;
	[tilespmem:$0x10080] =	vst v63  }
0x31: {  	s0 =	rddreg [dreg:$0xb]  }
0x32: {  	[tilespmem:s0], [sflag:$0x1] =	stream.indirect_vreg.gather [hbm4b:s6+s2], $0x80, v3, vm0, $0xb8;
	[tilespmem:$0x10080] =	vst v63  }
0x33: {  	v3 =	vld [tilespmem:$0x10];
	_ =	sdelay $0x4  }
0x34: {  	v61 =	vshll.u32 v3, $0x3  }
0x35: {  	v3 =	vand.u32 $0x7, v3;
	v4 =	vand.u32 $0xFFFFFFC0, v61  }
0x36: {  	v3 =	vor.u32 v3, v4  }
0x37: {  	v4 =	vperm.xlane v3, v0;
	_ =	sdelay $0x1  }
0x38: {  	v4 =	vadd.s32 v1, v4;
	_ =	sdelay $0x3  }
0x39: {  	s0 =	rddreg [dreg:$0xc]  }
0x3a: {  	[tilespmem:s0], [sflag:$0x1] =	stream.indirect_vreg.gather [hbm4b:s3+s2], $0x80, v4, vm0, $0xb8;
	[tilespmem:$0x10080] =	vst v63  }
0x3b: {  	s10 =	rddreg [dreg:$0xd];
	v3 =	vperm.xlane v3, v2  }
0x3c: {  	[tilespmem:s10], [sflag:$0x1] =	stream.indirect_vreg.gather [hbm4b:s4+s2], $0x80, v4, vm0, $0xb8;
	[tilespmem:$0x10080] =	vst v63  }
0x3d: {  	v3 =	vadd.s32 v1, v3;
	s0 =	rddreg [dreg:$0xe]  }
0x3e: {  	[tilespmem:s0], [sflag:$0x1] =	stream.indirect_vreg.gather [hbm4b:s5+s2], $0x80, v4, vm0, $0xb8;
	[tilespmem:$0x10080] =	vst v63  }
0x3f: {  	s10 =	simm.s32 $0x5880  }
0x40: {  	[tilespmem:s10], [sflag:$0x1] =	stream.indirect_vreg.gather [hbm4b:s6+s2], $0x80, v4, vm0, $0xb8;
	[tilespmem:$0x10080] =	vst v63  }
0x41: {  	_ = 	snop  }
0x42: {  	[tilespmem:s11], [sflag:$0x1] =	stream.indirect_vreg.gather [hbm4b:s3+s2], $0x80, v3, vm0, $0xb8;
	[tilespmem:$0x10080] =	vst v63  }
0x43: {  	_ = 	snop  }
0x44: {  	[tilespmem:s12], [sflag:$0x1] =	stream.indirect_vreg.gather [hbm4b:s4+s2], $0x80, v3, vm0, $0xb8;
	[tilespmem:$0x10080] =	vst v63  }
0x45: {  	_ = 	snop  }
0x46: {  	[tilespmem:s13], [sflag:$0x1] =	stream.indirect_vreg.gather [hbm4b:s5+s2], $0x80, v3, vm0, $0xb8;
	[tilespmem:$0x10080] =	vst v63  }
0x47: {  	_ = 	snop  }
0x48: {  	[tilespmem:s14], [sflag:$0x1] =	stream.indirect_vreg.gather [hbm4b:s6+s2], $0x80, v3, vm0, $0xb8;
	[tilespmem:$0x10080] =	vst v63  }
0x49: {  	v3 =	vld [tilespmem:$0x20];
	_ =	sdelay $0x4  }
0x4a: {  	v62 =	vshll.u32 v3, $0x3  }
0x4b: {  	v3 =	vand.u32 $0x7, v3;
	v4 =	vand.u32 $0xFFFFFFC0, v62  }
0x4c: {  	v3 =	vor.u32 v3, v4  }
0x4d: {  	v4 =	vperm.xlane v3, v0;
	_ =	sdelay $0x1  }
0x4e: {  	v4 =	vadd.s32 v1, v4;
	_ =	sdelay $0x4  }
0x4f: {  	[tilespmem:s15], [sflag:$0x1] =	stream.indirect_vreg.gather [hbm4b:s3+s2], $0x80, v4, vm0, $0xb8;
	[tilespmem:$0x10080] =	vst v63  }
0x50: {  	v3 =	vperm.xlane v3, v2  }
0x51: {  	[tilespmem:s16], [sflag:$0x1] =	stream.indirect_vreg.gather [hbm4b:s4+s2], $0x80, v4, vm0, $0xb8;
	[tilespmem:$0x10080] =	vst v63  }
0x52: {  	v3 =	vadd.s32 v1, v3  }
0x53: {  	[tilespmem:s17], [sflag:$0x1] =	stream.indirect_vreg.gather [hbm4b:s5+s2], $0x80, v4, vm0, $0xb8;
	[tilespmem:$0x10080] =	vst v63  }
0x54: {  	_ = 	snop  }
0x55: {  	[tilespmem:s18], [sflag:$0x1] =	stream.indirect_vreg.gather [hbm4b:s6+s2], $0x80, v4, vm0, $0xb8;
	[tilespmem:$0x10080] =	vst v63  }
0x56: {  	_ = 	snop  }
0x57: {  	[tilespmem:s19], [sflag:$0x1] =	stream.indirect_vreg.gather [hbm4b:s3+s2], $0x80, v3, vm0, $0xb8;
	[tilespmem:$0x10080] =	vst v63  }
0x58: {  	_ = 	snop  }
0x59: {  	[tilespmem:s20], [sflag:$0x1] =	stream.indirect_vreg.gather [hbm4b:s4+s2], $0x80, v3, vm0, $0xb8;
	[tilespmem:$0x10080] =	vst v63  }
0x5a: {  	_ = 	snop  }
0x5b: {  	[tilespmem:s21], [sflag:$0x1] =	stream.indirect_vreg.gather [hbm4b:s5+s2], $0x80, v3, vm0, $0xb8;
	[tilespmem:$0x10080] =	vst v63  }
0x5c: {  	_ = 	snop  }
0x5d: {  	[tilespmem:s22], [sflag:$0x1] =	stream.indirect_vreg.gather [hbm4b:s6+s2], $0x80, v3, vm0, $0xb8;
	[tilespmem:$0x10080] =	vst v63  }
0x5e: {  	v3 =	vld [tilespmem:$0x30];
	_ =	sdelay $0x4  }
0x5f: {  	v63 =	vshll.u32 v3, $0x3  }
0x60: {  	v3 =	vand.u32 $0x7, v3;
	v4 =	vand.u32 $0xFFFFFFC0, v63  }
0x61: {  	v3 =	vor.u32 v3, v4  }
0x62: {  	v4 =	vperm.xlane v3, v0;
	_ =	sdelay $0x1  }
0x63: {  	v4 =	vadd.s32 v1, v4;
	_ =	sdelay $0x4  }
0x64: {  	[tilespmem:s23], [sflag:$0x1] =	stream.indirect_vreg.gather [hbm4b:s3+s2], $0x80, v4, vm0, $0xb8;
	[tilespmem:$0x10080] =	vst v63  }
0x65: {  	v3 =	vperm.xlane v3, v2  }
0x66: {  	[tilespmem:s24], [sflag:$0x1] =	stream.indirect_vreg.gather [hbm4b:s4+s2], $0x80, v4, vm0, $0xb8;
	[tilespmem:$0x10080] =	vst v63  }
0x67: {  	v3 =	vadd.s32 v1, v3  }
0x68: {  	[tilespmem:s25], [sflag:$0x1] =	stream.indirect_vreg.gather [hbm4b:s5+s2], $0x80, v4, vm0, $0xb8;
	[tilespmem:$0x10080] =	vst v63  }
0x69: {  	_ = 	snop  }
0x6a: {  	[tilespmem:s26], [sflag:$0x1] =	stream.indirect_vreg.gather [hbm4b:s6+s2], $0x80, v4, vm0, $0xb8;
	[tilespmem:$0x10080] =	vst v63  }
0x6b: {  	_ = 	snop  }
0x6c: {  	[tilespmem:s28], [sflag:$0x1] =	stream.indirect_vreg.gather [hbm4b:s3+s2], $0x80, v3, vm0, $0xb8;
	[tilespmem:$0x10080] =	vst v63  }
0x6d: {  	_ = 	snop  }
0x6e: {  	[tilespmem:s29], [sflag:$0x1] =	stream.indirect_vreg.gather [hbm4b:s4+s2], $0x80, v3, vm0, $0xb8;
	[tilespmem:$0x10080] =	vst v63  }
0x6f: {  	_ = 	snop  }
0x70: {  	[tilespmem:s30], [sflag:$0x1] =	stream.indirect_vreg.gather [hbm4b:s5+s2], $0x80, v3, vm0, $0xb8;
	[tilespmem:$0x10080] =	vst v63  }
0x71: {  	_ = 	snop  }
0x72: {  	[tilespmem:s31], [sflag:$0x1] =	stream.indirect_vreg.gather [hbm4b:s6+s2], $0x80, v3, vm0, $0xb8;
	[tilespmem:$0x10080] =	vst v63  }
0x73: {  	_ =	swait.ge [sflag:s1], $0x10000  }
0x74: {  	p0 =	sne.s32 s7, $0x1;
	[sflag:s1] =	ssyncset.done $0x0  }
.Ltmp0:
0x75: {  	s10 =	rddreg [dreg:$0x4];
	[sflag:s1] =	ssyncadd.s32 $0xFFFF0000;
	(pc) =	sbr.rel @p0 .LBB2_1-.Ltmp0, $4  }
0x76: {  	[hbm4b:s10+s2] =	stream.linear.scatter [tilespmem:s9], [sflag:$0x2], $0x10000, $0x38;
	[tilespmem:$0x10080] =	vst v63  }
0x77: {  	_ =	swait.ge [sflag:s8], $0x10000  }
0x78: {  	[sflag:s8] =	ssyncset.done $0x0  }
0x79: {  	s7 =	sadd.s32 $0xFFFFFFFF, s7;
	[sflag:s8] =	ssyncadd.s32 $0xFFFF0000  }
0x7a: {  	_ =	sfence.sel $0x180000  }
0x7b: {  	[bflag:$0x0] =	sbarrier.arrive $0xFFFF  }
0x7c: {  	_ =	strace $0x90000056  }
0x7d: {  	s0 =	stileid.u32;
	[bflag:$0x2] =	sbarrier.arrive $0xFFFF  }
0x7e: {  	p0 =	sne.s32 s0, $0x0;
	s0 =	rddreg [dreg:$0x2]  }
0x7f: {  	s0 =	sadd.s32 @!p0 $0x100000, s0  }
0x80: {  	[sflag:s0] =	ssyncadd.tile.s32 @!p0 $0x1;
	_ =	shalt  }
.Lfunc_end2:
_tile_overlayer_lowered:
.L_overlay_start_2:
0x81: {  	(tag) =	ssettag $0x2  }
0x82: {  	s0 =	rddreg [dreg:$0x0];
	s2 =	stileid.u32  }
0x83: {  	s1 =	rddreg [dreg:$0x1];
	p0 =	sne.s32 s2, $0x0  }
0x84: {  	s3 =	rddreg [dreg:$0x2];
	[bflag:$0x3] =	sbarrier.arrive $0xFFFF;
	s2 =	simm.s32 @!p0 $0x1C02  }
0x85: {  	[timem:s3], [sflag:s2] =	dma.local @!p0 [hbm:s0], s1  }
0x86: {  	s0 =	simm.s32 @!p0 $0x2  }
0x87: {  	_ =	swait.ge @!p0 [sflag:s0], s1  }
0x88: {  	s1 =	ssub.s32 @!p0 $0x0, s1;
	[sflag:s0] =	ssyncset.done @!p0 $0x0  }
0x89: {  	[sflag:s0] =	ssyncadd.s32 @!p0 s1  }
0x8a: {  	[bflag:$0x3] =	sbarrier.arrive $0xFFFF  }
0x8b: {  	_ =	shalt  }

// kernel: kernel.8.cloned.1.call-start
scs
__scs_entry_jumppad:
0x0: {  	(pc) =	sbr.rel $0x88, $3  }
0x1: {  	(tag) =	ssettag $0x0;
	lr =	simm.s32 $0x1  }
0x2: {  	[smem:$0x3F94] =	sst lr;
	_ =	strace $0xD0000000  }
0x3: {  	_ = 	snop  }
0x4: {  	_ = 	snop  }
0x5: {  	_ = 	snop  }
0x6: {  	_ = 	snop  }
0x7: {  	_ = 	snop  }
__scs_overlays_trampoline_lowered:
0x8: {  	[smem:$0x3FA3] =	sst s0  }
0x9: {  	[smem:$0x3FA4] =	sst s1  }
0xa: {  	[smem:$0x3FA5] =	sst s2  }
0xb: {  	[smem:$0x3FA6] =	sst s3  }
0xc: {  	[smem:$0x3FA7] =	sst s4  }
0xd: {  	[smem:$0x3FA8] =	sst s5  }
0xe: {  	[smem:$0x3FA9] =	sst s6  }
0xf: {  	[smem:$0x3FAA] =	sst s7  }
0x10: {  	[smem:$0x3FAB] =	sst s8  }
0x11: {  	[smem:$0x3FAC] =	sst s9;
	s0 =	simm.s32 @!p0 $0x0  }
0x12: {  	s1 =	sld [smem:$0x3F92];
	s0 =	simm.s32 @p0 $0x1  }
0x13: {  	[smem:$0x3FAD] =	sst s0;
	s0 =	simm.s32 @!p1 $0x0  }
0x14: {  	s2 =	sld [smem:$0x3F91];
	s0 =	simm.s32 @p1 $0x1  }
0x15: {  	[smem:$0x3FAE] =	sst s0;
	s0 =	simm.s32 @!p2 $0x0  }
0x16: {  	s3 =	sld [smem:$0x3FDB];
	s0 =	simm.s32 @p2 $0x1  }
0x17: {  	s4 =	simm.s32 $0x1BF5;
	[smem:$0x3FB0] =	sst s0  }
0x18: {  	s0 =	sld [smem:$0x3F93];
	_ =	swait.ge [sflag:s4], $0x0  }
0x19: {  	s7 =	sld [smem:$0x3F94]  }
0x1a: {  	s8 =	sadd.s32 $0xFFFFE003, lr  }
0x1b: {  	s9 =	sadd.s32 $0xFFFFFEF7, lr;
	s5 =	simm.s32 $0xFFFFFFFF;
	p2 =	slt.u32 s8, $0xFFFFF086  }
0x1c: {  	p1 =	slt.u32 s9, $0xF7A;
	s5 =	simm.s32 @!p2 $0x0  }
0x1d: {  	s5 =	simm.s32 @p1 $0x1;
	p0 =	seq.s32 s7, s2  }
0x1e: {  	s7 =	smul.u32 @!p0 $0xF7A, s2;
	p2 =	seq.s32 @!p0 s5, $0x0  }
0x1f: {  	s9 =	smul.u32 $0xF7A, s1;
	s8 =	simm.s32 @!p0 $0x1BF5;
	p2 =	por !p2, p0  }
0x20: {  	[sflag:s8] =	ssyncset.s32 @!p0 $0xFFFFF086;
	s6 =	sadd.s32 @!p0 s3, s7;
	s7 =	simm.s32 @!p0 $0x108  }
0x21: {  	s3 =	sadd.s32 s3, s9;
	s6 =	sadd.s32 @!p0 $0x88, s6;
	s7 =	simm.s32 @p2 $0x1082  }
0x22: {  	[simem:s7], [sflag:s8] =	dma.local @!p0 [hbm:s6], $0xF7A  }
0x23: {  	s9 =	sor.u32 $0xD0000000, s2;
	s6 =	simm.s32 $0x108;
	_ =	swait.ge @!p0 [sflag:s8], $0x0  }
0x24: {  	s3 =	sadd.s32 $0x88, s3;
	s6 =	simm.s32 @!p1 $0x1082;
	[sflag:s4] =	ssyncset.s32 $0xFFFFF086  }
0x25: {  	[simem:s6], [sflag:s4] =	dma.local [hbm:s3], $0xF7A  }
0x26: {  	[smem:$0x3F94] =	sst s1;
	(tag) =	ssettag s2;
	_ =	strace s9  }
0x27: {  	s1 =	sld [smem:$0x3FA4]  }
0x28: {  	s2 =	sld [smem:$0x3FA5]  }
0x29: {  	s4 =	sld [smem:$0x3FA7]  }
0x2a: {  	p0 =	seq.s32 s5, $0x0;
	s5 =	sld [smem:$0x3FA8]  }
0x2b: {  	s6 =	sld [smem:$0x3FA9]  }
0x2c: {  	s7 =	sld [smem:$0x3FAA]  }
0x2d: {  	s3 =	simm.s32 $0x108;
	s8 =	sld [smem:$0x3FAB]  }
0x2e: {  	s3 =	simm.s32 @!p0 $0x1082;
	s9 =	sld [smem:$0x3FAC]  }
0x2f: {  	lr =	sadd.s32 s0, s3;
	s0 =	sld [smem:$0x3FA3]  }
0x30: {  	s3 =	sld [smem:$0x3FA6]  }
0x31: {  	[smem:$0x3FAF] =	sst s10  }
0x32: {  	s10 =	sld [smem:$0x3FAD];
	_ =	sdelay $0x3  }
0x33: {  	p0 =	seq.s32 s10, $0x1;
	s10 =	sld [smem:$0x3FAF];
	_ =	sdelay $0x3  }
0x34: {  	[smem:$0x3FAF] =	sst s10  }
0x35: {  	s10 =	sld [smem:$0x3FAE];
	_ =	sdelay $0x3  }
0x36: {  	p1 =	seq.s32 s10, $0x1;
	s10 =	sld [smem:$0x3FAF];
	_ =	sdelay $0x3  }
0x37: {  	[smem:$0x3FAF] =	sst s10  }
0x38: {  	s10 =	sld [smem:$0x3FB0]  }
0x39: {  	_ = 	snop;
	(pc) =	sbr.ind lr, $3  }
0x3a: {  	_ = 	snop  }
0x3b: {  	_ = 	snop  }
0x3c: {  	p2 =	seq.s32 s10, $0x1;
	s10 =	sld [smem:$0x3FAF]  }
0x3d: {  	_ =	shalt  }
0x3e: {  	_ =	shalt  }
0x3f: {  	_ =	shalt  }
0x40: {  	_ =	shalt  }
0x41: {  	_ =	shalt  }
0x42: {  	_ =	shalt  }
0x43: {  	_ =	shalt  }
0x44: {  	_ =	shalt  }
0x45: {  	_ =	shalt  }
0x46: {  	_ =	shalt  }
0x47: {  	_ =	shalt  }
0x48: {  	_ =	shalt  }
0x49: {  	_ =	shalt  }
0x4a: {  	_ =	shalt  }
0x4b: {  	_ =	shalt  }
0x4c: {  	_ =	shalt  }
0x4d: {  	_ =	shalt  }
0x4e: {  	_ =	shalt  }
0x4f: {  	_ =	shalt  }
0x50: {  	_ =	shalt  }
0x51: {  	_ =	shalt  }
0x52: {  	_ =	shalt  }
0x53: {  	_ =	shalt  }
0x54: {  	_ =	shalt  }
0x55: {  	_ =	shalt  }
0x56: {  	_ =	shalt  }
0x57: {  	_ =	shalt  }
0x58: {  	_ =	shalt  }
0x59: {  	_ =	shalt  }
0x5a: {  	_ =	shalt  }
0x5b: {  	_ =	shalt  }
0x5c: {  	_ =	shalt  }
0x5d: {  	_ =	shalt  }
0x5e: {  	_ =	shalt  }
0x5f: {  	_ =	shalt  }
0x60: {  	_ =	shalt  }
0x61: {  	_ =	shalt  }
0x62: {  	_ =	shalt  }
0x63: {  	_ =	shalt  }
0x64: {  	_ =	shalt  }
0x65: {  	_ =	shalt  }
0x66: {  	_ =	shalt  }
0x67: {  	_ =	shalt  }
0x68: {  	_ =	shalt  }
0x69: {  	_ =	shalt  }
0x6a: {  	_ =	shalt  }
0x6b: {  	_ =	shalt  }
0x6c: {  	_ =	shalt  }
0x6d: {  	_ =	shalt  }
0x6e: {  	_ =	shalt  }
0x6f: {  	_ =	shalt  }
0x70: {  	_ =	shalt  }
0x71: {  	_ =	shalt  }
0x72: {  	_ =	shalt  }
0x73: {  	_ =	shalt  }
0x74: {  	_ =	shalt  }
0x75: {  	_ =	shalt  }
0x76: {  	_ =	shalt  }
0x77: {  	_ =	shalt  }
0x78: {  	_ =	shalt  }
0x79: {  	_ =	shalt  }
0x7a: {  	_ =	shalt  }
0x7b: {  	_ =	shalt  }
0x7c: {  	_ =	shalt  }
0x7d: {  	_ =	shalt  }
0x7e: {  	_ =	shalt  }
0x7f: {  	_ =	shalt  }
0x80: {  	_ =	shalt  }
0x81: {  	_ =	shalt  }
0x82: {  	_ =	shalt  }
0x83: {  	_ =	shalt  }
0x84: {  	_ =	shalt  }
0x85: {  	_ =	shalt  }
0x86: {  	_ =	shalt  }
0x87: {  	_ =	shalt  }
.Lfunc_end0:
.L_simem_size_0:
called_computation.4_lowered:
.L_overlay_start_0:
0x88: {  	s2 =	sld [smem:$0x3FD9]  }
0x89: {  	s3 =	sld [smem:$0x3FFE];
	_ =	sdelay $0x1  }
0x8a: {  	s1 =	srdreg.scid  }
0x8b: {  	s0 =	sand.u32 $0x1, s1  }
0x8c: {  	s17 =	sshll.u32 s0, $0xA;
	s2 =	sadd.s32 s3, s2  }
0x8d: {  	s2 =	sadd.s32 s2, s17  }
0x8e: {  	[smem:$0x3FBB] =	sst s2  }
0x8f: {  	_ = 	snop  }
0x90: {  	s18 =	sld [smem:$0x3FD0];
	(tm) =	ssettm $0x1  }
0x91: {  	s19 =	sld [smem:$0x3FFB];
	_ =	sdelay $0x3  }
0x92: {  	_ =	strace s19  }
0x93: {  	s2 =	sld [smem:$0x3FFC];
	_ =	sdelay $0x3  }
0x94: {  	_ =	strace s2  }
0x95: {  	s2 =	sld [smem:$0x3FFD];
	_ =	sdelay $0x3  }
0x96: {  	_ =	strace s2  }
0x97: {  	_ =	strace $0x8FFFFFFF  }
0x98: {  	s20 =	sld [smem:$0x3FDB];
	_ =	sdelay $0x1  }
0x99: {  	s4 =	simm.s32 $_scs_section_size  }
0x9a: {  	s5 =	simm.s32 $_size__tile_overlayer_lowered;
	s6 =	simm.s32 $_tile_overlayer_lowered  }
0x9b: {  	s7 =	simm.s32 $0x1BFF;
	s21 =	sshll.u32 s6, $0x1;
	s4 =	sadd.s32 s4, s20  }
0x9c: {  	s22 =	simm.s32 $0x0;
	s5 =	sshll.u32 s5, $0x1;
	s6 =	sadd.s32 s21, s4  }
0x9d: {  	[timem:s22], [sflag:s7] =	dma.local [hbm:s6], s5  }
0x9e: {  	_ =	swait.ge [sflag:s7], s5  }
0x9f: {  	s5 =	ssub.s32 $0x0, s5;
	[sflag:s7] =	ssyncset.done $0x0  }
0xa0: {  	[sflag:s7] =	ssyncadd.s32 s5;
	_ =	sdelay $0x1  }
0xa1: {  	s23 =	simm.s32 $0x1B8B  }
0xa2: {  	_ =	swait.ge [sflag:s23], $0x1  }
0xa3: {  	[sflag:s23] =	ssyncset.done $0x0  }
0xa4: {  	[sflag:s23] =	ssyncadd.s32 $0xFFFFFFFF  }
0xa5: {  	s5 =	sld [smem:$0x0]  }
0xa6: {  	s6 =	sand.u32 $0xFFFFFFFE, s1  }
0xa7: {  	p0 =	sne.s32 s1, s6  }
0xa8: {  	s6 =	sshll.u32 @p0 s6, $0xE  }
0xa9: {  	s6 =	sadd.s32 @p0 $0x11B8D, s6;
	s7 =	sshll.u32 @p0 s5, $0x11  }
0xaa: {  	s6 =	sor.u32 @p0 s7, s6  }
0xab: {  	[sflag:s6] =	ssyncadd.remote.s32 @p0 $0x1;
	_ =	sdelay $0x1  }
0xac: {  	s6 =	simm.s32 @p0 $0x1B8D  }
0xad: {  	_ =	swait.eq @p0 [sflag:s6], $0x1  }
0xae: {  	[sflag:s6] =	ssyncadd.s32 @p0 $0xFFFFFFFF  }
0xaf: {  	s7 =	sshll.u32 @!p0 s1, $0xE  }
0xb0: {  	s7 =	sor.u32 @!p0 $0x4000, s7;
	s6 =	simm.s32 @!p0 $0x1B8D  }
0xb1: {  	s5 =	sshll.u32 @!p0 s5, $0x11;
	s7 =	sadd.s32 @!p0 $0x11B8D, s7;
	_ =	swait.eq @!p0 [sflag:s6], $0x1  }
0xb2: {  	s5 =	sor.u32 @!p0 s5, s7;
	[sflag:s6] =	ssyncadd.s32 @!p0 $0xFFFFFFFF  }
0xb3: {  	s25 =	simm.s32 $0x1B8E;
	s24 =	sld [smem:$0x3FFE];
	[sflag:s5] =	ssyncadd.remote.s32 @!p0 $0x1  }
0xb4: {  	s26 =	simm.s32 $execute0_lowered;
	[smem:$0x3FD2] =	sst s25  }
0xb5: {  	s6 =	sshll.u32 s26, $0x1;
	_ =	strace $0x80000052;
	[dreg:$0x1] =	wrdreg $0xFFFFFFFF  }
0xb6: {  	s28 =	simm.s32 $_size_execute0_lowered;
	s4 =	sadd.s32 s4, s6;
	[dreg:$0x0] =	wrdreg $0x0  }
0xb7: {  	s6 =	sshll.u32 s28, $0x1;
	[dreg:$0x2] =	wrdreg s4  }
0xb8: {  	[dreg:$0x3] =	wrdreg s6  }
0xb9: {  	[dreg:$0x4] =	wrdreg $0xC0  }
0xba: {  	_ =	task [dreg:s22], $0x5FFFF  }
0xbb: {  	[dreg:$0x1] =	wrdreg $0xFFFFFFFF  }
0xbc: {  	[dreg:$0x0] =	wrdreg $0x60  }
0xbd: {  	[dreg:$0x2] =	wrdreg s18  }
0xbe: {  	[dreg:$0x3] =	wrdreg s24  }
0xbf: {  	[dreg:$0x4] =	wrdreg $0xB  }
0xc0: {  	_ =	task.clear_ibuf [dreg:s22], $0x5FFFF;
	_ =	strace $0x90000052  }
0xc1: {  	s29 =	simm.s32 $0xB;
	_ =	strace $0x80000054  }
0xc2: {  	_ =	swait.ge [sflag:s29], $0x1  }
0xc3: {  	[sflag:s29] =	ssyncadd.s32 $0xFFFFFFFF  }
0xc4: {  	_ =	strace $0x90000054  }
0xc5: {  	_ =	sfence  }
0xc6: {  	s30 =	sld [smem:$0x0];
	_ =	sdelay $0x2  }
0xc7: {  	s31 =	sshll.u32 s1, $0xD;
	s1 =	sshrl.u32 s1, $0x2  }
0xc8: {  	s4 =	sand.u32 $0x4000, s31;
	s1 =	sadd.s32 s1, s30  }
0xc9: {  	s0 =	sor.u32 s4, s0;
	s1 =	sshll.u32 s1, $0x11  }
0xca: {  	s0 =	sor.u32 s1, s0  }
0xcb: {  	s0 =	sadd.s32 $0x8F2B, s0  }
0xcc: {  	[sflag:s0] =	ssyncadd.remote.s32 $0x1  }
0xcd: {  	_ =	sfence.sel $0xFFFF  }
0xce: {  	[dreg:$0x0] =	wrdreg $0xFFFFFFFF;
	(pc) =	sbr.abs _section_cstart, $3  }
0xcf: {  	[dreg:$0x1] =	wrdreg $0xFFFFFFFF  }
0xd0: {  	_ =	task.clear_ibuf [dreg:s22], $0x2FFFF;
	_ =	strace $0x9FFFFFFF  }
0xd1: {  	(tm) =	ssettm $0x7FFFFFFF  }
tec
execute0_lowered:
.L_overlay_start_1:
0x0: {  	(tag) =	ssettag $0x1  }
0x1: {  	s1 =	srdreg.scid;
	s0 =	stileid.u32  }
0x2: {  	s2 =	rddreg [dreg:$0x0];
	s1 =	sand.u32 $0x1, s1;
	s3 =	sshll.u32 s0, $0x1  }
0x3: {  	s5 =	rddreg [dreg:$0x1];
	s4 =	sor.u32 s1, s3;
	s3 =	simm.s32 $0x0  }
0x4: {  	s25 =	simm.s32 $0x880;
	[smem:$0x7FF] =	sst s3  }
0x5: {  	s26 =	simm.s32 $0x1080;
	_ =	strace $0x80000053;
	[dreg:$0x5] =	wrdreg s25  }
0x6: {  	s0 =	simm.s32 $0x1880;
	[dreg:$0x6] =	wrdreg s26  }
0x7: {  	s7 =	simm.s32 $0x3080;
	[dreg:$0x7] =	wrdreg s0  }
0x8: {  	s8 =	simm.s32 $0x3880;
	[dreg:$0xa] =	wrdreg s7  }
0x9: {  	s9 =	simm.s32 $0x4080;
	[dreg:$0xb] =	wrdreg s8  }
0xa: {  	s10 =	simm.s32 $0x4880;
	[dreg:$0xc] =	wrdreg s9  }
0xb: {  	s11 =	simm.s32 $0x5080;
	[dreg:$0xd] =	wrdreg s10  }
0xc: {  	s12 =	simm.s32 $0x5880;
	[dreg:$0xe] =	wrdreg s11  }
0xd: {  	s13 =	simm.s32 $0x6080;
	[dreg:$0xf] =	wrdreg s12  }
0xe: {  	s14 =	simm.s32 $0x6880;
	[dreg:$0x10] =	wrdreg s13  }
0xf: {  	s15 =	simm.s32 $0x7080;
	s16 =	simm.s32 $0x7880;
	[dreg:$0x11] =	wrdreg s14  }
0x10: {  	s17 =	simm.s32 $0x8080;
	s18 =	simm.s32 $0x8880;
	[dreg:$0x12] =	wrdreg s15  }
0x11: {  	s19 =	simm.s32 $0x9080;
	s20 =	simm.s32 $0x9880;
	[dreg:$0x13] =	wrdreg s16  }
0x12: {  	s22 =	simm.s32 $0xA080;
	s23 =	simm.s32 $0xA880;
	[dreg:$0x14] =	wrdreg s17  }
0x13: {  	s28 =	simm.s32 $0x16080;
	s29 =	simm.s32 $0x16880;
	[dreg:$0x15] =	wrdreg s18  }
0x14: {  	s30 =	simm.s32 $0x17080;
	s31 =	simm.s32 $0x17880;
	[dreg:$0x16] =	wrdreg s19  }
0x15: {  	s1 =	ssub.s32 $0x2, s1;
	s6 =	smul.u32 $0xC, s4;
	[dreg:$0x17] =	wrdreg s20  }
0x16: {  	s4 =	smul.u32 $0x3000, s4;
	s21 =	sshrl.u32 s1, $0x1;
	[dreg:$0x18] =	wrdreg s22  }
0x17: {  	s1 =	ssub.s32 s1, s21;
	[dreg:$0x19] =	wrdreg s23;
	s7 =	simm.s32 $0xB880  }
0x18: {  	s8 =	simm.s32 $0xC080;
	s25 =	simm.s32 $0xC880;
	s26 =	simm.s32 $0xD080  }
0x19: {  	s9 =	simm.s32 $0x80;
	s11 =	simm.s32 $0xE080;
	s12 =	simm.s32 $0xE880  }
0x1a: {  	s13 =	simm.s32 $0xF080;
	s14 =	simm.s32 $0xF880;
	s15 =	simm.s32 $0x10080  }
0x1b: {  	s16 =	simm.s32 $0x10880;
	s17 =	simm.s32 $0x11080;
	s18 =	simm.s32 $0x11880  }
0x1c: {  	s19 =	simm.s32 $0x12080;
	s20 =	simm.s32 $0x12880;
	s21 =	simm.s32 $0x13080  }
0x1d: {  	s22 =	simm.s32 $0x13880;
	s23 =	simm.s32 $0x14080;
	[dreg:$0x1b] =	wrdreg s7  }
0x1e: {  	s6 =	sadd.s32 s6, s5;
	s4 =	sadd.s32 s4, s5;
	[dreg:$0x1c] =	wrdreg s8  }
0x1f: {  	s5 =	simm.s32 $0x2080;
	s7 =	smax.u32 s1, $0x1;
	[dreg:$0x1d] =	wrdreg s25  }
0x20: {  	s8 =	simm.s32 $0x2;
	[dreg:$0x1e] =	wrdreg s26;
	s25 =	simm.s32 $0x15080  }
0x21: {  	s26 =	simm.s32 $0x15880;
	s24 =	sadd.s32 $0x5A00, s6;
	[dreg:$0x8] =	wrdreg s5  }
0x22: {  	s1 =	simm.s32 $0x1;
	s4 =	sadd.s32 $0x5E00, s4;
	[dreg:$0x3] =	wrdreg s24  }
0x23: {  	v2 =	vlaneseq.u32;
	s6 =	simm.s32 $0x2880;
	s5 =	sadd.s32 $0x200, s2;
	[dreg:$0x4] =	wrdreg s4  }
0x24: {  	vm0 =	vmmov $0xffff;
	v1 =	vshrl.u32 v2, $0x3;
	[dreg:$0x9] =	wrdreg s6;
	s4 =	sadd.s32 $0x100, s2;
	s24 =	simm.s32 $0xB080  }
0x25: {  	v0 =	vand.u32 $0x7, v2;
	v2 =	vor.u32 $0x8, v2;
	v1 =	vmul.u32 $0x8, v1;
	s6 =	sadd.s32 $0x300, s2;
	[dreg:$0x1a] =	wrdreg s24;
	s24 =	simm.s32 $0x14880  }
.LBB2_1:
0x26: {  	s0 =	rddreg [dreg:$0x3]  }
0x27: {  	[tilespmem:s3], [sflag:$0x2] =	stream.linear.gather [hbm4b:s0+s3], $0x60, $0x38;
	[tilespmem:$0x18080] =	vst v63  }
0x28: {  	_ =	swait.ge [sflag:s8], $0x60  }
0x29: {  	[sflag:s8] =	ssyncset.done $0x0  }
0x2a: {  	[sflag:s8] =	ssyncadd.s32 $0xFFFFFFA0  }
0x2b: {  	v3 =	vld [tilespmem:$0x0];
	_ =	sdelay $0x4  }
0x2c: {  	v4 =	vshll.u32 v3, $0x3  }
0x2d: {  	v3 =	vand.u32 $0x7, v3;
	v4 =	vand.u32 $0xFFFFFFC0, v4  }
0x2e: {  	v3 =	vor.u32 v3, v4  }
0x2f: {  	v4 =	vperm.xlane v3, v0;
	_ =	sdelay $0x1  }
0x30: {  	v4 =	vadd.s32 v1, v4;
	_ =	sdelay $0x4  }
0x31: {  	[tilespmem:s9], [sflag:$0x1] =	stream.indirect_vreg.gather [hbm4b:s2+s3], $0x80, v4, vm0, $0xb8;
	[tilespmem:$0x18080] =	vst v63  }
0x32: {  	s0 =	rddreg [dreg:$0x5];
	v3 =	vperm.xlane v3, v2  }
0x33: {  	[tilespmem:s0], [sflag:$0x1] =	stream.indirect_vreg.gather [hbm4b:s4+s3], $0x80, v4, vm0, $0xb8;
	[tilespmem:$0x18080] =	vst v63  }
0x34: {  	s10 =	rddreg [dreg:$0x6];
	v3 =	vadd.s32 v1, v3  }
0x35: {  	[tilespmem:s10], [sflag:$0x1] =	stream.indirect_vreg.gather [hbm4b:s5+s3], $0x80, v4, vm0, $0xb8;
	[tilespmem:$0x18080] =	vst v63  }
0x36: {  	s0 =	rddreg [dreg:$0x7]  }
0x37: {  	[tilespmem:s0], [sflag:$0x1] =	stream.indirect_vreg.gather [hbm4b:s6+s3], $0x80, v4, vm0, $0xb8;
	[tilespmem:$0x18080] =	vst v63  }
0x38: {  	s10 =	rddreg [dreg:$0x8]  }
0x39: {  	[tilespmem:s10], [sflag:$0x1] =	stream.indirect_vreg.gather [hbm4b:s2+s3], $0x80, v3, vm0, $0xb8;
	[tilespmem:$0x18080] =	vst v63  }
0x3a: {  	s0 =	rddreg [dreg:$0x9]  }
0x3b: {  	[tilespmem:s0], [sflag:$0x1] =	stream.indirect_vreg.gather [hbm4b:s4+s3], $0x80, v3, vm0, $0xb8;
	[tilespmem:$0x18080] =	vst v63  }
0x3c: {  	s10 =	rddreg [dreg:$0xa]  }
0x3d: {  	[tilespmem:s10], [sflag:$0x1] =	stream.indirect_vreg.gather [hbm4b:s5+s3], $0x80, v3, vm0, $0xb8;
	[tilespmem:$0x18080] =	vst v63  }
0x3e: {  	s0 =	rddreg [dreg:$0xb]  }
0x3f: {  	[tilespmem:s0], [sflag:$0x1] =	stream.indirect_vreg.gather [hbm4b:s6+s3], $0x80, v3, vm0, $0xb8;
	[tilespmem:$0x18080] =	vst v63  }
0x40: {  	v3 =	vld [tilespmem:$0x10];
	_ =	sdelay $0x4  }
0x41: {  	v59 =	vshll.u32 v3, $0x3  }
0x42: {  	v3 =	vand.u32 $0x7, v3;
	v4 =	vand.u32 $0xFFFFFFC0, v59  }
0x43: {  	v3 =	vor.u32 v3, v4  }
0x44: {  	v4 =	vperm.xlane v3, v0;
	_ =	sdelay $0x1  }
0x45: {  	v4 =	vadd.s32 v1, v4;
	_ =	sdelay $0x3  }
0x46: {  	s0 =	rddreg [dreg:$0xc]  }
0x47: {  	[tilespmem:s0], [sflag:$0x1] =	stream.indirect_vreg.gather [hbm4b:s2+s3], $0x80, v4, vm0, $0xb8;
	[tilespmem:$0x18080] =	vst v63  }
0x48: {  	s10 =	rddreg [dreg:$0xd];
	v3 =	vperm.xlane v3, v2  }
0x49: {  	[tilespmem:s10], [sflag:$0x1] =	stream.indirect_vreg.gather [hbm4b:s4+s3], $0x80, v4, vm0, $0xb8;
	[tilespmem:$0x18080] =	vst v63  }
0x4a: {  	v3 =	vadd.s32 v1, v3;
	s0 =	rddreg [dreg:$0xe]  }
0x4b: {  	[tilespmem:s0], [sflag:$0x1] =	stream.indirect_vreg.gather [hbm4b:s5+s3], $0x80, v4, vm0, $0xb8;
	[tilespmem:$0x18080] =	vst v63  }
0x4c: {  	s10 =	rddreg [dreg:$0xf]  }
0x4d: {  	[tilespmem:s10], [sflag:$0x1] =	stream.indirect_vreg.gather [hbm4b:s6+s3], $0x80, v4, vm0, $0xb8;
	[tilespmem:$0x18080] =	vst v63  }
0x4e: {  	s0 =	rddreg [dreg:$0x10]  }
0x4f: {  	[tilespmem:s0], [sflag:$0x1] =	stream.indirect_vreg.gather [hbm4b:s2+s3], $0x80, v3, vm0, $0xb8;
	[tilespmem:$0x18080] =	vst v63  }
0x50: {  	s10 =	rddreg [dreg:$0x11]  }
0x51: {  	[tilespmem:s10], [sflag:$0x1] =	stream.indirect_vreg.gather [hbm4b:s4+s3], $0x80, v3, vm0, $0xb8;
	[tilespmem:$0x18080] =	vst v63  }
0x52: {  	s0 =	rddreg [dreg:$0x12]  }
0x53: {  	[tilespmem:s0], [sflag:$0x1] =	stream.indirect_vreg.gather [hbm4b:s5+s3], $0x80, v3, vm0, $0xb8;
	[tilespmem:$0x18080] =	vst v63  }
0x54: {  	s10 =	rddreg [dreg:$0x13]  }
0x55: {  	[tilespmem:s10], [sflag:$0x1] =	stream.indirect_vreg.gather [hbm4b:s6+s3], $0x80, v3, vm0, $0xb8;
	[tilespmem:$0x18080] =	vst v63  }
0x56: {  	v3 =	vld [tilespmem:$0x20];
	_ =	sdelay $0x4  }
0x57: {  	v60 =	vshll.u32 v3, $0x3  }
0x58: {  	v3 =	vand.u32 $0x7, v3;
	v4 =	vand.u32 $0xFFFFFFC0, v60  }
0x59: {  	v3 =	vor.u32 v3, v4  }
0x5a: {  	v4 =	vperm.xlane v3, v0;
	_ =	sdelay $0x1  }
0x5b: {  	v4 =	vadd.s32 v1, v4;
	_ =	sdelay $0x3  }
0x5c: {  	s0 =	rddreg [dreg:$0x14]  }
0x5d: {  	[tilespmem:s0], [sflag:$0x1] =	stream.indirect_vreg.gather [hbm4b:s2+s3], $0x80, v4, vm0, $0xb8;
	[tilespmem:$0x18080] =	vst v63  }
0x5e: {  	s10 =	rddreg [dreg:$0x15];
	v3 =	vperm.xlane v3, v2  }
0x5f: {  	[tilespmem:s10], [sflag:$0x1] =	stream.indirect_vreg.gather [hbm4b:s4+s3], $0x80, v4, vm0, $0xb8;
	[tilespmem:$0x18080] =	vst v63  }
0x60: {  	v3 =	vadd.s32 v1, v3;
	s0 =	rddreg [dreg:$0x16]  }
0x61: {  	[tilespmem:s0], [sflag:$0x1] =	stream.indirect_vreg.gather [hbm4b:s5+s3], $0x80, v4, vm0, $0xb8;
	[tilespmem:$0x18080] =	vst v63  }
0x62: {  	s10 =	rddreg [dreg:$0x17]  }
0x63: {  	[tilespmem:s10], [sflag:$0x1] =	stream.indirect_vreg.gather [hbm4b:s6+s3], $0x80, v4, vm0, $0xb8;
	[tilespmem:$0x18080] =	vst v63  }
0x64: {  	s0 =	rddreg [dreg:$0x18]  }
0x65: {  	[tilespmem:s0], [sflag:$0x1] =	stream.indirect_vreg.gather [hbm4b:s2+s3], $0x80, v3, vm0, $0xb8;
	[tilespmem:$0x18080] =	vst v63  }
0x66: {  	s10 =	rddreg [dreg:$0x19]  }
0x67: {  	[tilespmem:s10], [sflag:$0x1] =	stream.indirect_vreg.gather [hbm4b:s4+s3], $0x80, v3, vm0, $0xb8;
	[tilespmem:$0x18080] =	vst v63  }
0x68: {  	s0 =	rddreg [dreg:$0x1a]  }
0x69: {  	[tilespmem:s0], [sflag:$0x1] =	stream.indirect_vreg.gather [hbm4b:s5+s3], $0x80, v3, vm0, $0xb8;
	[tilespmem:$0x18080] =	vst v63  }
0x6a: {  	s10 =	rddreg [dreg:$0x1b]  }
0x6b: {  	[tilespmem:s10], [sflag:$0x1] =	stream.indirect_vreg.gather [hbm4b:s6+s3], $0x80, v3, vm0, $0xb8;
	[tilespmem:$0x18080] =	vst v63  }
0x6c: {  	v3 =	vld [tilespmem:$0x30];
	_ =	sdelay $0x4  }
0x6d: {  	v61 =	vshll.u32 v3, $0x3  }
0x6e: {  	v3 =	vand.u32 $0x7, v3;
	v4 =	vand.u32 $0xFFFFFFC0, v61  }
0x6f: {  	v3 =	vor.u32 v3, v4  }
0x70: {  	v4 =	vperm.xlane v3, v0;
	_ =	sdelay $0x1  }
0x71: {  	v4 =	vadd.s32 v1, v4;
	_ =	sdelay $0x3  }
0x72: {  	s0 =	rddreg [dreg:$0x1c]  }
0x73: {  	[tilespmem:s0], [sflag:$0x1] =	stream.indirect_vreg.gather [hbm4b:s2+s3], $0x80, v4, vm0, $0xb8;
	[tilespmem:$0x18080] =	vst v63  }
0x74: {  	s10 =	rddreg [dreg:$0x1d];
	v3 =	vperm.xlane v3, v2  }
0x75: {  	[tilespmem:s10], [sflag:$0x1] =	stream.indirect_vreg.gather [hbm4b:s4+s3], $0x80, v4, vm0, $0xb8;
	[tilespmem:$0x18080] =	vst v63  }
0x76: {  	v3 =	vadd.s32 v1, v3;
	s0 =	rddreg [dreg:$0x1e]  }
0x77: {  	[tilespmem:s0], [sflag:$0x1] =	stream.indirect_vreg.gather [hbm4b:s5+s3], $0x80, v4, vm0, $0xb8;
	[tilespmem:$0x18080] =	vst v63  }
0x78: {  	s10 =	simm.s32 $0xD880  }
0x79: {  	[tilespmem:s10], [sflag:$0x1] =	stream.indirect_vreg.gather [hbm4b:s6+s3], $0x80, v4, vm0, $0xb8;
	[tilespmem:$0x18080] =	vst v63  }
0x7a: {  	_ = 	snop  }
0x7b: {  	[tilespmem:s11], [sflag:$0x1] =	stream.indirect_vreg.gather [hbm4b:s2+s3], $0x80, v3, vm0, $0xb8;
	[tilespmem:$0x18080] =	vst v63  }
0x7c: {  	_ = 	snop  }
0x7d: {  	[tilespmem:s12], [sflag:$0x1] =	stream.indirect_vreg.gather [hbm4b:s4+s3], $0x80, v3, vm0, $0xb8;
	[tilespmem:$0x18080] =	vst v63  }
0x7e: {  	_ = 	snop  }
0x7f: {  	[tilespmem:s13], [sflag:$0x1] =	stream.indirect_vreg.gather [hbm4b:s5+s3], $0x80, v3, vm0, $0xb8;
	[tilespmem:$0x18080] =	vst v63  }
0x80: {  	_ = 	snop  }
0x81: {  	[tilespmem:s14], [sflag:$0x1] =	stream.indirect_vreg.gather [hbm4b:s6+s3], $0x80, v3, vm0, $0xb8;
	[tilespmem:$0x18080] =	vst v63  }
0x82: {  	v3 =	vld [tilespmem:$0x40];
	_ =	sdelay $0x4  }
0x83: {  	v62 =	vshll.u32 v3, $0x3  }
0x84: {  	v3 =	vand.u32 $0x7, v3;
	v4 =	vand.u32 $0xFFFFFFC0, v62  }
0x85: {  	v3 =	vor.u32 v3, v4  }
0x86: {  	v4 =	vperm.xlane v3, v0;
	_ =	sdelay $0x1  }
0x87: {  	v4 =	vadd.s32 v1, v4;
	_ =	sdelay $0x4  }
0x88: {  	[tilespmem:s15], [sflag:$0x1] =	stream.indirect_vreg.gather [hbm4b:s2+s3], $0x80, v4, vm0, $0xb8;
	[tilespmem:$0x18080] =	vst v63  }
0x89: {  	v3 =	vperm.xlane v3, v2  }
0x8a: {  	[tilespmem:s16], [sflag:$0x1] =	stream.indirect_vreg.gather [hbm4b:s4+s3], $0x80, v4, vm0, $0xb8;
	[tilespmem:$0x18080] =	vst v63  }
0x8b: {  	v3 =	vadd.s32 v1, v3  }
0x8c: {  	[tilespmem:s17], [sflag:$0x1] =	stream.indirect_vreg.gather [hbm4b:s5+s3], $0x80, v4, vm0, $0xb8;
	[tilespmem:$0x18080] =	vst v63  }
0x8d: {  	_ = 	snop  }
0x8e: {  	[tilespmem:s18], [sflag:$0x1] =	stream.indirect_vreg.gather [hbm4b:s6+s3], $0x80, v4, vm0, $0xb8;
	[tilespmem:$0x18080] =	vst v63  }
0x8f: {  	_ = 	snop  }
0x90: {  	[tilespmem:s19], [sflag:$0x1] =	stream.indirect_vreg.gather [hbm4b:s2+s3], $0x80, v3, vm0, $0xb8;
	[tilespmem:$0x18080] =	vst v63  }
0x91: {  	_ = 	snop  }
0x92: {  	[tilespmem:s20], [sflag:$0x1] =	stream.indirect_vreg.gather [hbm4b:s4+s3], $0x80, v3, vm0, $0xb8;
	[tilespmem:$0x18080] =	vst v63  }
0x93: {  	_ = 	snop  }
0x94: {  	[tilespmem:s21], [sflag:$0x1] =	stream.indirect_vreg.gather [hbm4b:s5+s3], $0x80, v3, vm0, $0xb8;
	[tilespmem:$0x18080] =	vst v63  }
0x95: {  	_ = 	snop  }
0x96: {  	[tilespmem:s22], [sflag:$0x1] =	stream.indirect_vreg.gather [hbm4b:s6+s3], $0x80, v3, vm0, $0xb8;
	[tilespmem:$0x18080] =	vst v63  }
0x97: {  	v3 =	vld [tilespmem:$0x50];
	_ =	sdelay $0x4  }
0x98: {  	v63 =	vshll.u32 v3, $0x3  }
0x99: {  	v3 =	vand.u32 $0x7, v3;
	v4 =	vand.u32 $0xFFFFFFC0, v63  }
0x9a: {  	v3 =	vor.u32 v3, v4  }
0x9b: {  	v4 =	vperm.xlane v3, v0;
	_ =	sdelay $0x1  }
0x9c: {  	v4 =	vadd.s32 v1, v4;
	_ =	sdelay $0x4  }
0x9d: {  	[tilespmem:s23], [sflag:$0x1] =	stream.indirect_vreg.gather [hbm4b:s2+s3], $0x80, v4, vm0, $0xb8;
	[tilespmem:$0x18080] =	vst v63  }
0x9e: {  	v3 =	vperm.xlane v3, v2  }
0x9f: {  	[tilespmem:s24], [sflag:$0x1] =	stream.indirect_vreg.gather [hbm4b:s4+s3], $0x80, v4, vm0, $0xb8;
	[tilespmem:$0x18080] =	vst v63  }
0xa0: {  	v3 =	vadd.s32 v1, v3  }
0xa1: {  	[tilespmem:s25], [sflag:$0x1] =	stream.indirect_vreg.gather [hbm4b:s5+s3], $0x80, v4, vm0, $0xb8;
	[tilespmem:$0x18080] =	vst v63  }
0xa2: {  	_ = 	snop  }
0xa3: {  	[tilespmem:s26], [sflag:$0x1] =	stream.indirect_vreg.gather [hbm4b:s6+s3], $0x80, v4, vm0, $0xb8;
	[tilespmem:$0x18080] =	vst v63  }
0xa4: {  	_ = 	snop  }
0xa5: {  	[tilespmem:s28], [sflag:$0x1] =	stream.indirect_vreg.gather [hbm4b:s2+s3], $0x80, v3, vm0, $0xb8;
	[tilespmem:$0x18080] =	vst v63  }
0xa6: {  	_ = 	snop  }
0xa7: {  	[tilespmem:s29], [sflag:$0x1] =	stream.indirect_vreg.gather [hbm4b:s4+s3], $0x80, v3, vm0, $0xb8;
	[tilespmem:$0x18080] =	vst v63  }
0xa8: {  	_ = 	snop  }
0xa9: {  	[tilespmem:s30], [sflag:$0x1] =	stream.indirect_vreg.gather [hbm4b:s5+s3], $0x80, v3, vm0, $0xb8;
	[tilespmem:$0x18080] =	vst v63  }
0xaa: {  	_ = 	snop  }
0xab: {  	[tilespmem:s31], [sflag:$0x1] =	stream.indirect_vreg.gather [hbm4b:s6+s3], $0x80, v3, vm0, $0xb8;
	[tilespmem:$0x18080] =	vst v63  }
0xac: {  	_ =	swait.ge [sflag:s1], $0x18000  }
0xad: {  	p0 =	sne.s32 s7, $0x1;
	[sflag:s1] =	ssyncset.done $0x0  }
.Ltmp0:
0xae: {  	s10 =	rddreg [dreg:$0x4];
	[sflag:s1] =	ssyncadd.s32 $0xFFFE8000;
	(pc) =	sbr.rel @p0 .LBB2_1-.Ltmp0, $4  }
0xaf: {  	[hbm4b:s10+s3] =	stream.linear.scatter [tilespmem:s9], [sflag:$0x2], $0x18000, $0x38;
	[tilespmem:$0x18080] =	vst v63  }
0xb0: {  	_ =	swait.ge [sflag:s8], $0x18000  }
0xb1: {  	[sflag:s8] =	ssyncset.done $0x0  }
0xb2: {  	s7 =	sadd.s32 $0xFFFFFFFF, s7;
	[sflag:s8] =	ssyncadd.s32 $0xFFFE8000  }
0xb3: {  	_ =	sfence.sel $0x180000  }
0xb4: {  	[bflag:$0x0] =	sbarrier.arrive $0xFFFF  }
0xb5: {  	_ =	strace $0x90000053  }
0xb6: {  	s0 =	stileid.u32;
	[bflag:$0x2] =	sbarrier.arrive $0xFFFF  }
0xb7: {  	p0 =	sne.s32 s0, $0x0;
	s0 =	rddreg [dreg:$0x2]  }
0xb8: {  	s0 =	sadd.s32 @!p0 $0x100000, s0  }
0xb9: {  	[sflag:s0] =	ssyncadd.tile.s32 @!p0 $0x1;
	_ =	shalt  }
.Lfunc_end2:
_tile_overlayer_lowered:
.L_overlay_start_2:
0xba: {  	(tag) =	ssettag $0x2  }
0xbb: {  	s0 =	rddreg [dreg:$0x0];
	s2 =	stileid.u32  }
0xbc: {  	s1 =	rddreg [dreg:$0x1];
	p0 =	sne.s32 s2, $0x0  }
0xbd: {  	s3 =	rddreg [dreg:$0x2];
	[bflag:$0x3] =	sbarrier.arrive $0xFFFF;
	s2 =	simm.s32 @!p0 $0x1C02  }
0xbe: {  	[timem:s3], [sflag:s2] =	dma.local @!p0 [hbm:s0], s1  }
0xbf: {  	s0 =	simm.s32 @!p0 $0x2  }
0xc0: {  	_ =	swait.ge @!p0 [sflag:s0], s1  }
0xc1: {  	s1 =	ssub.s32 @!p0 $0x0, s1;
	[sflag:s0] =	ssyncset.done @!p0 $0x0  }
0xc2: {  	[sflag:s0] =	ssyncadd.s32 @!p0 s1  }
0xc3: {  	[bflag:$0x3] =	sbarrier.arrive $0xFFFF  }
0xc4: {  	_ =	shalt  }

// kernel: scatter_offload_async_start
scs
__scs_entry_jumppad:
0x0: {  	(pc) =	sbr.rel $0x88, $3  }
0x1: {  	(tag) =	ssettag $0x0;
	lr =	simm.s32 $0x1  }
0x2: {  	[smem:$0x3F94] =	sst lr;
	_ =	strace $0xD0000000  }
0x3: {  	_ = 	snop  }
0x4: {  	_ = 	snop  }
0x5: {  	_ = 	snop  }
0x6: {  	_ = 	snop  }
0x7: {  	_ = 	snop  }
__scs_overlays_trampoline_lowered:
0x8: {  	[smem:$0x3FA3] =	sst s0  }
0x9: {  	[smem:$0x3FA4] =	sst s1  }
0xa: {  	[smem:$0x3FA5] =	sst s2  }
0xb: {  	[smem:$0x3FA6] =	sst s3  }
0xc: {  	[smem:$0x3FA7] =	sst s4  }
0xd: {  	[smem:$0x3FA8] =	sst s5  }
0xe: {  	[smem:$0x3FA9] =	sst s6  }
0xf: {  	[smem:$0x3FAA] =	sst s7  }
0x10: {  	[smem:$0x3FAB] =	sst s8  }
0x11: {  	[smem:$0x3FAC] =	sst s9;
	s0 =	simm.s32 @!p0 $0x0  }
0x12: {  	s1 =	sld [smem:$0x3F92];
	s0 =	simm.s32 @p0 $0x1  }
0x13: {  	[smem:$0x3FAD] =	sst s0;
	s0 =	simm.s32 @!p1 $0x0  }
0x14: {  	s2 =	sld [smem:$0x3F91];
	s0 =	simm.s32 @p1 $0x1  }
0x15: {  	[smem:$0x3FAE] =	sst s0;
	s0 =	simm.s32 @!p2 $0x0  }
0x16: {  	s3 =	sld [smem:$0x3FDB];
	s0 =	simm.s32 @p2 $0x1  }
0x17: {  	s4 =	simm.s32 $0x1BF5;
	[smem:$0x3FB0] =	sst s0  }
0x18: {  	s0 =	sld [smem:$0x3F93];
	_ =	swait.ge [sflag:s4], $0x0  }
0x19: {  	s7 =	sld [smem:$0x3F94]  }
0x1a: {  	s8 =	sadd.s32 $0xFFFFE003, lr  }
0x1b: {  	s9 =	sadd.s32 $0xFFFFFEF7, lr;
	s5 =	simm.s32 $0xFFFFFFFF;
	p2 =	slt.u32 s8, $0xFFFFF086  }
0x1c: {  	p1 =	slt.u32 s9, $0xF7A;
	s5 =	simm.s32 @!p2 $0x0  }
0x1d: {  	s5 =	simm.s32 @p1 $0x1;
	p0 =	seq.s32 s7, s2  }
0x1e: {  	s7 =	smul.u32 @!p0 $0xF7A, s2;
	p2 =	seq.s32 @!p0 s5, $0x0  }
0x1f: {  	s9 =	smul.u32 $0xF7A, s1;
	s8 =	simm.s32 @!p0 $0x1BF5;
	p2 =	por !p2, p0  }
0x20: {  	[sflag:s8] =	ssyncset.s32 @!p0 $0xFFFFF086;
	s6 =	sadd.s32 @!p0 s3, s7;
	s7 =	simm.s32 @!p0 $0x108  }
0x21: {  	s3 =	sadd.s32 s3, s9;
	s6 =	sadd.s32 @!p0 $0x88, s6;
	s7 =	simm.s32 @p2 $0x1082  }
0x22: {  	[simem:s7], [sflag:s8] =	dma.local @!p0 [hbm:s6], $0xF7A  }
0x23: {  	s9 =	sor.u32 $0xD0000000, s2;
	s6 =	simm.s32 $0x108;
	_ =	swait.ge @!p0 [sflag:s8], $0x0  }
0x24: {  	s3 =	sadd.s32 $0x88, s3;
	s6 =	simm.s32 @!p1 $0x1082;
	[sflag:s4] =	ssyncset.s32 $0xFFFFF086  }
0x25: {  	[simem:s6], [sflag:s4] =	dma.local [hbm:s3], $0xF7A  }
0x26: {  	[smem:$0x3F94] =	sst s1;
	(tag) =	ssettag s2;
	_ =	strace s9  }
0x27: {  	s1 =	sld [smem:$0x3FA4]  }
0x28: {  	s2 =	sld [smem:$0x3FA5]  }
0x29: {  	s4 =	sld [smem:$0x3FA7]  }
0x2a: {  	p0 =	seq.s32 s5, $0x0;
	s5 =	sld [smem:$0x3FA8]  }
0x2b: {  	s6 =	sld [smem:$0x3FA9]  }
0x2c: {  	s7 =	sld [smem:$0x3FAA]  }
0x2d: {  	s3 =	simm.s32 $0x108;
	s8 =	sld [smem:$0x3FAB]  }
0x2e: {  	s3 =	simm.s32 @!p0 $0x1082;
	s9 =	sld [smem:$0x3FAC]  }
0x2f: {  	lr =	sadd.s32 s0, s3;
	s0 =	sld [smem:$0x3FA3]  }
0x30: {  	s3 =	sld [smem:$0x3FA6]  }
0x31: {  	[smem:$0x3FAF] =	sst s10  }
0x32: {  	s10 =	sld [smem:$0x3FAD];
	_ =	sdelay $0x3  }
0x33: {  	p0 =	seq.s32 s10, $0x1;
	s10 =	sld [smem:$0x3FAF];
	_ =	sdelay $0x3  }
0x34: {  	[smem:$0x3FAF] =	sst s10  }
0x35: {  	s10 =	sld [smem:$0x3FAE];
	_ =	sdelay $0x3  }
0x36: {  	p1 =	seq.s32 s10, $0x1;
	s10 =	sld [smem:$0x3FAF];
	_ =	sdelay $0x3  }
0x37: {  	[smem:$0x3FAF] =	sst s10  }
0x38: {  	s10 =	sld [smem:$0x3FB0]  }
0x39: {  	_ = 	snop;
	(pc) =	sbr.ind lr, $3  }
0x3a: {  	_ = 	snop  }
0x3b: {  	_ = 	snop  }
0x3c: {  	p2 =	seq.s32 s10, $0x1;
	s10 =	sld [smem:$0x3FAF]  }
0x3d: {  	_ =	shalt  }
0x3e: {  	_ =	shalt  }
0x3f: {  	_ =	shalt  }
0x40: {  	_ =	shalt  }
0x41: {  	_ =	shalt  }
0x42: {  	_ =	shalt  }
0x43: {  	_ =	shalt  }
0x44: {  	_ =	shalt  }
0x45: {  	_ =	shalt  }
0x46: {  	_ =	shalt  }
0x47: {  	_ =	shalt  }
0x48: {  	_ =	shalt  }
0x49: {  	_ =	shalt  }
0x4a: {  	_ =	shalt  }
0x4b: {  	_ =	shalt  }
0x4c: {  	_ =	shalt  }
0x4d: {  	_ =	shalt  }
0x4e: {  	_ =	shalt  }
0x4f: {  	_ =	shalt  }
0x50: {  	_ =	shalt  }
0x51: {  	_ =	shalt  }
0x52: {  	_ =	shalt  }
0x53: {  	_ =	shalt  }
0x54: {  	_ =	shalt  }
0x55: {  	_ =	shalt  }
0x56: {  	_ =	shalt  }
0x57: {  	_ =	shalt  }
0x58: {  	_ =	shalt  }
0x59: {  	_ =	shalt  }
0x5a: {  	_ =	shalt  }
0x5b: {  	_ =	shalt  }
0x5c: {  	_ =	shalt  }
0x5d: {  	_ =	shalt  }
0x5e: {  	_ =	shalt  }
0x5f: {  	_ =	shalt  }
0x60: {  	_ =	shalt  }
0x61: {  	_ =	shalt  }
0x62: {  	_ =	shalt  }
0x63: {  	_ =	shalt  }
0x64: {  	_ =	shalt  }
0x65: {  	_ =	shalt  }
0x66: {  	_ =	shalt  }
0x67: {  	_ =	shalt  }
0x68: {  	_ =	shalt  }
0x69: {  	_ =	shalt  }
0x6a: {  	_ =	shalt  }
0x6b: {  	_ =	shalt  }
0x6c: {  	_ =	shalt  }
0x6d: {  	_ =	shalt  }
0x6e: {  	_ =	shalt  }
0x6f: {  	_ =	shalt  }
0x70: {  	_ =	shalt  }
0x71: {  	_ =	shalt  }
0x72: {  	_ =	shalt  }
0x73: {  	_ =	shalt  }
0x74: {  	_ =	shalt  }
0x75: {  	_ =	shalt  }
0x76: {  	_ =	shalt  }
0x77: {  	_ =	shalt  }
0x78: {  	_ =	shalt  }
0x79: {  	_ =	shalt  }
0x7a: {  	_ =	shalt  }
0x7b: {  	_ =	shalt  }
0x7c: {  	_ =	shalt  }
0x7d: {  	_ =	shalt  }
0x7e: {  	_ =	shalt  }
0x7f: {  	_ =	shalt  }
0x80: {  	_ =	shalt  }
0x81: {  	_ =	shalt  }
0x82: {  	_ =	shalt  }
0x83: {  	_ =	shalt  }
0x84: {  	_ =	shalt  }
0x85: {  	_ =	shalt  }
0x86: {  	_ =	shalt  }
0x87: {  	_ =	shalt  }
.Lfunc_end0:
.L_simem_size_0:
called_computation_lowered:
.L_overlay_start_0:
0x88: {  	s0 =	sld [smem:$0x3FD9]  }
0x89: {  	s1 =	sld [smem:$0x3FFE];
	_ =	sdelay $0x3  }
0x8a: {  	s0 =	sadd.s32 s1, s0  }
0x8b: {  	[smem:$0x3FBB] =	sst s0  }
0x8c: {  	_ = 	snop  }
0x8d: {  	(tm) =	ssettm $0x1  }
0x8e: {  	s15 =	sld [smem:$0x3FFB];
	_ =	sdelay $0x3  }
0x8f: {  	_ =	strace s15  }
0x90: {  	s0 =	sld [smem:$0x3FFC];
	_ =	sdelay $0x3  }
0x91: {  	_ =	strace s0  }
0x92: {  	s0 =	sld [smem:$0x3FFD];
	_ =	sdelay $0x3  }
0x93: {  	_ =	strace s0  }
0x94: {  	_ =	strace $0x8FFFFFFF  }
0x95: {  	s16 =	sld [smem:$0x3FDB];
	_ =	sdelay $0x1  }
0x96: {  	s17 =	simm.s32 $_scs_section_size  }
0x97: {  	s2 =	simm.s32 $_size__tile_overlayer_lowered;
	s3 =	simm.s32 $_tile_overlayer_lowered  }
0x98: {  	s20 =	simm.s32 $0x1BFF;
	s19 =	sshll.u32 s3, $0x1;
	s0 =	sadd.s32 s17, s16  }
0x99: {  	s4 =	simm.s32 $0x0;
	s18 =	sshll.u32 s2, $0x1;
	s2 =	sadd.s32 s19, s0  }
0x9a: {  	[timem:s4], [sflag:s20] =	dma.local [hbm:s2], s18  }
0x9b: {  	_ =	swait.ge [sflag:s20], s18  }
0x9c: {  	s1 =	ssub.s32 $0x0, s18;
	[sflag:s20] =	ssyncset.done $0x0  }
0x9d: {  	[sflag:s20] =	ssyncadd.s32 s1;
	_ =	sdelay $0x1  }
0x9e: {  	s21 =	simm.s32 $0x1B8B  }
0x9f: {  	_ =	swait.ge [sflag:s21], $0x1  }
0xa0: {  	[sflag:s21] =	ssyncset.done $0x0  }
0xa1: {  	s23 =	simm.s32 $0x1B8E;
	s22 =	sld [smem:$0x3FFE];
	[sflag:s21] =	ssyncadd.s32 $0xFFFFFFFF  }
0xa2: {  	s24 =	simm.s32 $execute0_lowered;
	[smem:$0x3FD2] =	sst s23  }
0xa3: {  	s2 =	sshll.u32 s24, $0x1;
	_ =	strace $0x80000046;
	[dreg:$0x1] =	wrdreg $0xFFFFFFFF  }
0xa4: {  	s25 =	simm.s32 $_size_execute0_lowered;
	s0 =	sadd.s32 s0, s2;
	[dreg:$0x0] =	wrdreg $0x0  }
0xa5: {  	s2 =	sshll.u32 s25, $0x1;
	[dreg:$0x2] =	wrdreg s0  }
0xa6: {  	[dreg:$0x3] =	wrdreg s2  }
0xa7: {  	[dreg:$0x4] =	wrdreg $0xC0  }
0xa8: {  	_ =	task [dreg:s4], $0x5FFFF  }
0xa9: {  	[dreg:$0x1] =	wrdreg $0xFFFFFFFF  }
0xaa: {  	[dreg:$0x0] =	wrdreg $0x60  }
0xab: {  	[dreg:$0x2] =	wrdreg s22  }
0xac: {  	[dreg:$0x3] =	wrdreg $0x9  }
0xad: {  	_ =	task.clear_ibuf [dreg:s4], $0x4FFFF;
	_ =	strace $0x90000046  }
0xae: {  	s26 =	simm.s32 $0x9;
	_ =	strace $0x80000048  }
0xaf: {  	_ =	swait.ge [sflag:s26], $0x1  }
0xb0: {  	[sflag:s26] =	ssyncadd.s32 $0xFFFFFFFF  }
0xb1: {  	_ =	strace $0x90000048  }
0xb2: {  	_ =	sfence  }
0xb3: {  	s28 =	sld [smem:$0x0];
	_ =	sdelay $0x1  }
0xb4: {  	s29 =	srdreg.scid  }
0xb5: {  	s30 =	sshll.u32 s29, $0xD;
	s31 =	sshrl.u32 s29, $0x2  }
0xb6: {  	s1 =	sand.u32 $0x1, s29;
	s2 =	sand.u32 $0x4000, s30;
	s0 =	sadd.s32 s31, s28  }
0xb7: {  	s1 =	sor.u32 s2, s1;
	s0 =	sshll.u32 s0, $0x11  }
0xb8: {  	s0 =	sor.u32 s0, s1  }
0xb9: {  	s0 =	sadd.s32 $0x8F2B, s0  }
0xba: {  	[sflag:s0] =	ssyncadd.remote.s32 $0x1  }
0xbb: {  	_ =	sfence.sel $0xFFFF  }
0xbc: {  	[dreg:$0x0] =	wrdreg $0xFFFFFFFF;
	(pc) =	sbr.abs _section_cstart, $3  }
0xbd: {  	[dreg:$0x1] =	wrdreg $0xFFFFFFFF  }
0xbe: {  	_ =	task.clear_ibuf [dreg:s4], $0x2FFFF;
	_ =	strace $0x9FFFFFFF  }
0xbf: {  	(tm) =	ssettm $0x7FFFFFFF  }
tec
execute0_lowered:
.L_overlay_start_1:
0x0: {  	(tag) =	ssettag $0x1  }
0x1: {  	s4 =	rddreg [dreg:$0x0]  }
0x2: {  	s0 =	rddreg [dreg:$0x1];
	_ =	strace $0x80000047;
	s5 =	stileid.u32  }
0x3: {  	s3 =	simm.s32 $0x3E;
	s1 =	sadd.s32 $0x3A00, s4;
	p0 =	sne.s32 s5, $0x0  }
0x4: {  	[sflag:s3] =	ssyncpa.u1 $0x0;
	s6 =	simm.s32 @!p0 $0x1C3E;
	s2 =	simm.s32 @!p0 $0x0  }
0x5: {  	[spmem:s2], [sflag:s6] =	dma.local @!p0 [hbm:s1], $0x10  }
0x6: {  	s6 =	simm.s32 @!p0 $0x3E  }
0x7: {  	_ =	swait.ge @!p0 [sflag:s6], $0x10  }
0x8: {  	[sflag:s6] =	ssyncset.done @!p0 $0x0  }
0x9: {  	s13 =	simm.s32 $0x1;
	[sflag:s6] =	ssyncadd.s32 @!p0 $0xFFFFFFF0  }
0xa: {  	s7 =	simm.s32 $0x2;
	s8 =	simm.s32 $0x0;
	[bflag:$0x0] =	sbarrier.arrive $0xFFFF  }
0xb: {  	s9 =	simm.s32 $0x88;
	s14 =	sadd.s32 $0x3200, s4;
	[sflag:s3] =	ssyncpa.u1 $0x1  }
0xc: {  	s4 =	sadd.s32 $0x3800, s4;
	s5 =	sshll.u32 s5, $0x4;
	[sflag:s13] =	ssyncpa.u1 $0x0  }
0xd: {  	s6 =	sadd.s32 s14, s5;
	(ifvalue) =	ssetifvalue $0x80;
	[sflag:s7] =	ssyncpa.u1 $0x0  }
0xe: {  	[tilespmem:s9], [sflag:$0x2] =	stream.linear.gather [hbm4b:s6+s8], $0x80, $0x38;
	[tilespmem:$0x208] =	vst v63  }
0xf: {  	s15 =	simm.s32 $0x188;
	s4 =	sadd.s32 s4, s5  }
0x10: {  	[tilespmem:s15], [sflag:$0x2] =	stream.linear.gather [hbm4b:s4+s8], $0x80, $0x38;
	[tilespmem:$0x208] =	vst v63  }
0x11: {  	_ =	swait.ge [sflag:s7], $0x100  }
0x12: {  	[sflag:s7] =	ssyncset.done $0x0  }
0x13: {  	[sflag:s7] =	ssyncadd.s32 $0xFFFFFF00  }
0x14: {  	v0 =	vld.msk [tilespmem:s9+$0x0 ss:$0x1], $0xffff;
	_ =	sdelay $0x4  }
0x15: {  	v0 =	vmin.u32 v0, $0x80;
	_ =	sdelay $0x3  }
0x16: {  	vm0 =	vmmov $0xffff;
	s16 =	simm.s32 $0x98  }
0x17: {  	[spmem:s8] =	stream.indirect_vreg.scatter.add.s32 [tilespmem:s15], [sflag:$0x1], $0x1, v0, vm0, $0x4038;
	[tilespmem:$0x208] =	vst v63  }
0x18: {  	v0 =	vld.msk [tilespmem:s16+$0x0 ss:$0x1], $0xffff;
	_ =	sdelay $0x4  }
0x19: {  	v0 =	vmin.u32 v0, $0x80;
	_ =	sdelay $0x3  }
0x1a: {  	s17 =	simm.s32 $0x198;
	s18 =	simm.s32 $0xA8  }
0x1b: {  	[spmem:s8] =	stream.indirect_vreg.scatter.add.s32 [tilespmem:s17], [sflag:$0x1], $0x1, v0, vm0, $0x4038;
	[tilespmem:$0x208] =	vst v63  }
0x1c: {  	v0 =	vld.msk [tilespmem:s18+$0x0 ss:$0x1], $0xffff;
	_ =	sdelay $0x4  }
0x1d: {  	v0 =	vmin.u32 v0, $0x80;
	_ =	sdelay $0x3  }
0x1e: {  	s19 =	simm.s32 $0x1A8;
	s20 =	simm.s32 $0xB8  }
0x1f: {  	[spmem:s8] =	stream.indirect_vreg.scatter.add.s32 [tilespmem:s19], [sflag:$0x1], $0x1, v0, vm0, $0x4038;
	[tilespmem:$0x208] =	vst v63  }
0x20: {  	v0 =	vld.msk [tilespmem:s20+$0x0 ss:$0x1], $0xffff;
	_ =	sdelay $0x4  }
0x21: {  	v0 =	vmin.u32 v0, $0x80;
	_ =	sdelay $0x3  }
0x22: {  	s21 =	simm.s32 $0x1B8;
	s22 =	simm.s32 $0xC8  }
0x23: {  	[spmem:s8] =	stream.indirect_vreg.scatter.add.s32 [tilespmem:s21], [sflag:$0x1], $0x1, v0, vm0, $0x4038;
	[tilespmem:$0x208] =	vst v63  }
0x24: {  	v0 =	vld.msk [tilespmem:s22+$0x0 ss:$0x1], $0xffff;
	_ =	sdelay $0x4  }
0x25: {  	v0 =	vmin.u32 v0, $0x80;
	_ =	sdelay $0x3  }
0x26: {  	s23 =	simm.s32 $0x1C8;
	s24 =	simm.s32 $0xD8  }
0x27: {  	[spmem:s8] =	stream.indirect_vreg.scatter.add.s32 [tilespmem:s23], [sflag:$0x1], $0x1, v0, vm0, $0x4038;
	[tilespmem:$0x208] =	vst v63  }
0x28: {  	v0 =	vld.msk [tilespmem:s24+$0x0 ss:$0x1], $0xffff;
	_ =	sdelay $0x4  }
0x29: {  	v0 =	vmin.u32 v0, $0x80;
	_ =	sdelay $0x3  }
0x2a: {  	s25 =	simm.s32 $0x1D8;
	s26 =	simm.s32 $0xE8  }
0x2b: {  	[spmem:s8] =	stream.indirect_vreg.scatter.add.s32 [tilespmem:s25], [sflag:$0x1], $0x1, v0, vm0, $0x4038;
	[tilespmem:$0x208] =	vst v63  }
0x2c: {  	v0 =	vld.msk [tilespmem:s26+$0x0 ss:$0x1], $0xffff;
	_ =	sdelay $0x4  }
0x2d: {  	v0 =	vmin.u32 v0, $0x80;
	_ =	sdelay $0x3  }
0x2e: {  	s28 =	simm.s32 $0x1E8;
	s29 =	simm.s32 $0xF8  }
0x2f: {  	[spmem:s8] =	stream.indirect_vreg.scatter.add.s32 [tilespmem:s28], [sflag:$0x1], $0x1, v0, vm0, $0x4038;
	[tilespmem:$0x208] =	vst v63  }
0x30: {  	v0 =	vld.msk [tilespmem:s29+$0x0 ss:$0x1], $0xffff;
	_ =	sdelay $0x4  }
0x31: {  	v0 =	vmin.u32 v0, $0x80;
	_ =	sdelay $0x3  }
0x32: {  	s30 =	simm.s32 $0x1F8  }
0x33: {  	[spmem:s8] =	stream.indirect_vreg.scatter.add.s32 [tilespmem:s30], [sflag:$0x1], $0x1, v0, vm0, $0x4038;
	[tilespmem:$0x208] =	vst v63  }
0x34: {  	_ =	swait.ge [sflag:s13], $0x80  }
0x35: {  	[sflag:s13] =	ssyncset.done $0x0  }
0x36: {  	[sflag:s13] =	ssyncadd.s32 $0xFFFFFF80  }
0x37: {  	_ =	sfence.sel $0x180000  }
0x38: {  	[bflag:$0x0] =	sbarrier.arrive $0xFFFF  }
0x39: {  	[sflag:s7] =	ssyncpa.u1 $0x1  }
0x3a: {  	[sflag:s13] =	ssyncpa.u1 $0x1  }
0x3b: {  	_ =	sfence.stream.spmem  }
0x3c: {  	s31 =	simm.s32 $0x3D;
	[bflag:$0x0] =	sbarrier.arrive $0xFFFF  }
0x3d: {  	s3 =	simm.s32 @p0 $0x3D;
	[sflag:s31] =	ssyncpa.u1 $0x0  }
0x3e: {  	[sflag:s3] =	ssyncpa.u1 @p0 $0x1  }
0x3f: {  	[bflag:$0x0] =	sbarrier.arrive @p0 $0xFFFF  }
0x40: {  	_ =	strace @p0 $0x90000047  }
0x41: {  	s3 =	simm.s32 @!p0 $0x1C3D;
	[bflag:$0x2] =	sbarrier.arrive @p0 $0xFFFF  }
0x42: {  	[hbm:s1], [sflag:s3] =	dma.local @!p0 [spmem:s2], $0x10  }
0x43: {  	s1 =	simm.s32 @!p0 $0x3D  }
0x44: {  	_ =	swait.ge @!p0 [sflag:s1], $0x10  }
0x45: {  	[sflag:s1] =	ssyncset.done @!p0 $0x0  }
0x46: {  	[sflag:s1] =	ssyncadd.s32 @!p0 $0xFFFFFFF0  }
0x47: {  	[sflag:s1] =	ssyncpa.u1 @!p0 $0x1  }
0x48: {  	[bflag:$0x0] =	sbarrier.arrive @!p0 $0xFFFF  }
0x49: {  	_ =	strace @!p0 $0x90000047  }
0x4a: {  	s0 =	sadd.s32 @!p0 $0x100000, s0;
	[bflag:$0x2] =	sbarrier.arrive @!p0 $0xFFFF  }
0x4b: {  	[sflag:s0] =	ssyncadd.tile.s32 @!p0 $0x1;
	_ =	shalt  }
.Lfunc_end2:
_tile_overlayer_lowered:
.L_overlay_start_2:
0x4c: {  	(tag) =	ssettag $0x2  }
0x4d: {  	s0 =	rddreg [dreg:$0x0];
	s2 =	stileid.u32  }
0x4e: {  	s1 =	rddreg [dreg:$0x1];
	p0 =	sne.s32 s2, $0x0  }
0x4f: {  	s3 =	rddreg [dreg:$0x2];
	[bflag:$0x3] =	sbarrier.arrive $0xFFFF;
	s2 =	simm.s32 @!p0 $0x1C01  }
0x50: {  	[timem:s3], [sflag:s2] =	dma.local @!p0 [hbm:s0], s1  }
0x51: {  	s0 =	simm.s32 @!p0 $0x1  }
0x52: {  	_ =	swait.ge @!p0 [sflag:s0], s1  }
0x53: {  	s1 =	ssub.s32 @!p0 $0x0, s1;
	[sflag:s0] =	ssyncset.done @!p0 $0x0  }
0x54: {  	[sflag:s0] =	ssyncadd.s32 @!p0 s1  }
0x55: {  	[bflag:$0x3] =	sbarrier.arrive $0xFFFF  }
0x56: {  	_ =	shalt  }

</sc_bundles>
